<compile_context>
chip_gen: v7x
topology: tpu7x:2x2x1
jax: 0.10.2.dev20260603
libtpu: 0.0.44.dev20260713+nightly
codegen_flags: <defaults>
</compile_context>

<pallas_src>
import jax
import jax.numpy as jnp
from jax import lax
from jax.experimental import pallas as pl
from jax.experimental.pallas import tpu as pltpu
from jax.experimental.pallas import tpu_sc as plsc

N_NODES_ = 10000
N_EDGES_ = 320000
D_ = 128

NUM_CORES = 2
NUM_SUBCORES = 16
NUM_TILES = NUM_CORES * NUM_SUBCORES
CHUNK = 128
NCHUNKS = N_EDGES_ // CHUNK
STEPS = NCHUNKS // NUM_TILES
EXTRA_CHUNKS = NCHUNKS - STEPS * NUM_TILES
ROWS_PER_TILE = 624
ZCHUNK = 208
TAIL_BASE = ROWS_PER_TILE * NUM_SUBCORES
TAIL_ROWS = N_NODES_ - TAIL_BASE


NBUF = 3
NIDX = 6


def _sc_body(x_hbm, ei_hbm, col_hbm, out_hbm,
             colv0, colv1, colv2, colv3, colv4, colv5,
             rowv0, rowv1, rowv2, rowv3, rowv4, rowv5,
             buf0, buf1, buf2, acc,
             gsem0, gsem1, gsem2,
             isem0, isem1, isem2, isem3, isem4, isem5):
    cid = lax.axis_index("c")
    sid = lax.axis_index("s")
    wid = sid * NUM_CORES + cid

    colv = (colv0, colv1, colv2, colv3, colv4, colv5)
    rowv = (rowv0, rowv1, rowv2, rowv3, rowv4, rowv5)
    isem = (isem0, isem1, isem2, isem3, isem4, isem5)
    bufs = (buf0, buf1, buf2)
    gsem = (gsem0, gsem1, gsem2)

    z = jnp.zeros((16,), jnp.float32)

    def _zero_body(i, _):
        for j in range(D_ // 16):
            buf0[i, pl.ds(j * 16, 16)] = z
        return 0

    lax.fori_loop(0, CHUNK, _zero_body, 0)
    row_base = sid * ROWS_PER_TILE
    for k in range(ROWS_PER_TILE // CHUNK):
        pltpu.sync_copy(buf0, acc.at[pl.ds(row_base + k * CHUNK, CHUNK)])
    _zrem = ROWS_PER_TILE - (ROWS_PER_TILE // CHUNK) * CHUNK
    pltpu.sync_copy(
        buf0.at[pl.ds(0, _zrem)],
        acc.at[pl.ds(row_base + ROWS_PER_TILE - _zrem, _zrem)],
    )

    @pl.when(sid == NUM_SUBCORES - 1)
    def _zero_tail():
        pltpu.sync_copy(buf0.at[pl.ds(0, TAIL_ROWS)], acc.at[pl.ds(TAIL_BASE, TAIL_ROWS)])

    plsc.subcore_barrier()

    def _issue_idx(c, p):
        base = c * CHUNK
        pltpu.async_copy(ei_hbm.at[0, pl.ds(base, CHUNK)], rowv[p], isem[p])
        pltpu.async_copy(col_hbm.at[pl.ds(base, CHUNK)], colv[p], isem[p])

    def _wait_idx(c, p):
        base = c * CHUNK
        pltpu.make_async_copy(ei_hbm.at[0, pl.ds(base, CHUNK)], rowv[p], isem[p]).wait()
        pltpu.make_async_copy(col_hbm.at[pl.ds(base, CHUNK)], colv[p], isem[p]).wait()

    def _chunk_of(k):
        return k * NUM_TILES + wid

    def _wait_gather(p, d):
        pltpu.make_async_copy(x_hbm.at[colv[p]], bufs[d], gsem[d]).wait()

    for p in range(NIDX):
        _issue_idx(_chunk_of(p), p)
    for d in range(NBUF):
        _wait_idx(_chunk_of(d), d)
        pltpu.async_copy(x_hbm.at[colv[d]], bufs[d], gsem[d])

    def _sextet(t, _):
        for b in range(NIDX):
            k = NIDX * t + b
            d = b % NBUF
            _wait_gather(b, d)
            pltpu.sync_copy(bufs[d], acc.at[rowv[b]], add=True)

            @pl.when(k + NIDX <= STEPS - 1)
            def _prefetch_idx():
                _issue_idx(_chunk_of(k + NIDX), b)

            @pl.when(k + NBUF <= STEPS - 1)
            def _next_gather():
                p2 = (b + NBUF) % NIDX
                _wait_idx(_chunk_of(k + NBUF), p2)
                pltpu.async_copy(x_hbm.at[colv[p2]], bufs[d], gsem[d])
        return 0

    lax.fori_loop(0, STEPS // NIDX, _sextet, 0)

    @pl.when(wid < EXTRA_CHUNKS)
    def _extra():
        c = STEPS * NUM_TILES + wid
        _issue_idx(c, 0)
        _wait_idx(c, 0)
        pltpu.async_copy(x_hbm.at[colv[0]], bufs[0], gsem[0])
        _wait_gather(0, 0)
        pltpu.sync_copy(bufs[0], acc.at[rowv[0]], add=True)

    plsc.subcore_barrier()

    for k in range(ROWS_PER_TILE // ZCHUNK):
        pltpu.sync_copy(
            acc.at[pl.ds(row_base + k * ZCHUNK, ZCHUNK)],
            out_hbm.at[cid, pl.ds(row_base + k * ZCHUNK, ZCHUNK)],
        )

    @pl.when(sid == NUM_SUBCORES - 1)
    def _write_tail():
        pltpu.sync_copy(
            acc.at[pl.ds(TAIL_BASE, TAIL_ROWS)],
            out_hbm.at[cid, pl.ds(TAIL_BASE, TAIL_ROWS)],
        )


@jax.jit
def _sc_scatter(x, ei, col):
    mesh = plsc.VectorSubcoreMesh(core_axis_name="c", subcore_axis_name="s")
    return pl.kernel(
        _sc_body,
        out_type=jax.ShapeDtypeStruct((NUM_CORES, N_NODES_, D_), jnp.float32),
        mesh=mesh,
        scratch_types=(
            [pltpu.VMEM((CHUNK,), jnp.int32)] * (2 * NIDX)
            + [pltpu.VMEM((CHUNK, D_), jnp.float32)] * NBUF
            + [pltpu.VMEM_SHARED((N_NODES_, D_), jnp.float32)]
            + [pltpu.SemaphoreType.DMA] * (NBUF + NIDX)
        ),
    )(x, ei, col)


ROW_BLK = 2000


def _tc_body(p_ref, x_ref, w_ref, b_ref, o_ref):
    s = p_ref[0] + p_ref[1] + x_ref[...]
    o_ref[...] = jnp.dot(s, w_ref[...], preferred_element_type=jnp.float32) + b_ref[...]


@jax.jit
def _tc_finish(partial, x, W, b2):
    grid = N_NODES_ // ROW_BLK
    return pl.pallas_call(
        _tc_body,
        out_shape=jax.ShapeDtypeStruct((N_NODES_, D_), jnp.float32),
        grid=(grid,),
        in_specs=[
            pl.BlockSpec((NUM_CORES, ROW_BLK, D_), lambda i: (0, i, 0)),
            pl.BlockSpec((ROW_BLK, D_), lambda i: (i, 0)),
            pl.BlockSpec((D_, D_), lambda i: (0, 0)),
            pl.BlockSpec((1, D_), lambda i: (0, 0)),
        ],
        out_specs=pl.BlockSpec((ROW_BLK, D_), lambda i: (i, 0)),
    )(partial, x, W, b2)


def kernel(x, edge_index, W, b):
    ei = edge_index.astype(jnp.int32)
    partial = _sc_scatter(x, ei, ei[1])
    return _tc_finish(partial, x, W, b.reshape(1, D_))

# --- scband reference (transcript-rebuilt; emitter-appended) ---
"""Pipeline reference for scband-ginconv-65773129171713 (READ-ONLY COPY).

The authoritative reference and input builder live on the scoring server;
editing this copy changes nothing except your own understanding.
"""

import jax, jax.numpy as jnp
import numpy as np

N_NODES = 10000
N_EDGES = 320000
D_FEAT = 128

def setup_inputs(seed: int = 0) -> dict:
    key = jax.random.key(seed)
    k1, k2, k3, k4 = jax.random.split(key, 4)
    x = jax.random.normal(k1, (N_NODES, D_FEAT), dtype=jnp.float32)
    edge_index = jax.random.randint(k2, (2, N_EDGES), 0, N_NODES, dtype=jnp.int64)
    # inner nn = Linear(128, 128)
    W = jax.random.normal(k3, (D_FEAT, D_FEAT), dtype=jnp.float32) * (1.0 / np.sqrt(D_FEAT))
    b = jax.random.normal(k4, (D_FEAT,), dtype=jnp.float32) * 0.01
    return {"x": x, "edge_index": edge_index, "W": W, "b": b}

def reference(x, edge_index, W, b):
    size = x.shape[0]
    row = edge_index[0]
    col = edge_index[1]
    # scatter_add(x[col], row, dim=0, dim_size=size)
    gathered = jnp.take(x, col, axis=0)
    out = jnp.zeros((size, x.shape[1]), dtype=x.dtype).at[row].add(gathered)
    # add_root
    out = out + x
    # inner nn: Linear
    out = out @ W + b
    return out

if __name__ == "__main__":
    import jax
    _d = setup_inputs()
    print(jax.jit(kernel)(*tuple(_d.values())))

</pallas_src>

<mosaic_0001>
#map = affine_map<(d0, d1) -> (0, 0)>
#map1 = affine_map<(d0, d1) -> (0)>
#map2 = affine_map<(d0, d1) -> (0, 0, 0)>
module attributes {stable_mosaic.version = 14 : i64} {
  func.func @_sc_body(%arg0: i32, %arg1: i32, %arg2: memref<10000x128xf32, #tpu.memory_space<hbm>>, %arg3: memref<2x320000xi32, #tpu.memory_space<hbm>>, %arg4: memref<320000xi32, #tpu.memory_space<hbm>>, %arg5: memref<2x10000x128xf32, #tpu.memory_space<hbm>>, %arg6: memref<128xi32, #tpu.memory_space<vmem>>, %arg7: memref<128xi32, #tpu.memory_space<vmem>>, %arg8: memref<128xi32, #tpu.memory_space<vmem>>, %arg9: memref<128xi32, #tpu.memory_space<vmem>>, %arg10: memref<128xi32, #tpu.memory_space<vmem>>, %arg11: memref<128xi32, #tpu.memory_space<vmem>>, %arg12: memref<128xi32, #tpu.memory_space<vmem>>, %arg13: memref<128xi32, #tpu.memory_space<vmem>>, %arg14: memref<128xi32, #tpu.memory_space<vmem>>, %arg15: memref<128xi32, #tpu.memory_space<vmem>>, %arg16: memref<128xi32, #tpu.memory_space<vmem>>, %arg17: memref<128xi32, #tpu.memory_space<vmem>>, %arg18: memref<128x128xf32, #tpu.memory_space<vmem>>, %arg19: memref<128x128xf32, #tpu.memory_space<vmem>>, %arg20: memref<128x128xf32, #tpu.memory_space<vmem>>, %arg21: memref<10000x128xf32, #tpu.memory_space<vmem_shared>>, %arg22: memref<!tpu.dma_semaphore, #tpu.memory_space<semaphore_mem>>, %arg23: memref<!tpu.dma_semaphore, #tpu.memory_space<semaphore_mem>>, %arg24: memref<!tpu.dma_semaphore, #tpu.memory_space<semaphore_mem>>, %arg25: memref<!tpu.dma_semaphore, #tpu.memory_space<semaphore_mem>>, %arg26: memref<!tpu.dma_semaphore, #tpu.memory_space<semaphore_mem>>, %arg27: memref<!tpu.dma_semaphore, #tpu.memory_space<semaphore_mem>>, %arg28: memref<!tpu.dma_semaphore, #tpu.memory_space<semaphore_mem>>, %arg29: memref<!tpu.dma_semaphore, #tpu.memory_space<semaphore_mem>>, %arg30: memref<!tpu.dma_semaphore, #tpu.memory_space<semaphore_mem>>) attributes {dimension_semantics = [#tpu.dimension_semantics<core_parallel>, #tpu.dimension_semantics<subcore_parallel>], iteration_bounds = array<i64: 2, 16>, scalar_prefetch = 0 : i64, scratch_operands = 25 : i64, tpu.core_type = #tpu.core_type<sc_vector_subcore>, window_params = [{transform_indices = #map}, {transform_indices = #map}, {transform_indices = #map1}, {transform_indices = #map2}]} {
    %mul3A = arith.constant 2 : i32
    %mul3A_0 = arith.muli %arg1, %mul3A : i32
    %add3A = arith.addi %mul3A_0, %arg0 : i32
    %broadcast_in_dim3A = arith.constant 0.000000e+00 : f32
    %broadcast_in_dim3A_1 = vector.broadcast %broadcast_in_dim3A : f32 to vector<16xf32>
    %scan3A = arith.constant 0 : i32
    %scan3A_2 = arith.constant 0 : i32
    %scan3A_3 = arith.constant 128 : i32
    %scan3A_4 = arith.addi %scan3A_2, %scan3A_3 : i32
    %scan3A_5 = arith.constant 1 : i32
    %scan3A_6 = scf.for %scan3A_158 = %scan3A_2 to %scan3A_4 step %scan3A_5 iter_args(%scan3A_159 = %scan3A) -> (i32)  : i32 {
      %swap3A = arith.index_cast %scan3A_158 : i32 to index
      %swap3A_160 = arith.constant 0 : index
      %swap3A_161 = tpu.vector_load %arg18[%swap3A, %swap3A_160] {strides = array<i32>} : memref<128x128xf32, #tpu.memory_space<vmem>>, vector<1x16xf32>,
      %swap3A_162 = vector.shape_cast %swap3A_161 : vector<1x16xf32> to vector<16xf32>
      %swap3A_163 = vector.shape_cast %broadcast_in_dim3A_1 : vector<16xf32> to vector<1x16xf32>
      tpu.vector_store %arg18[%swap3A, %swap3A_160], %swap3A_163 {strides = array<i32>} : memref<128x128xf32, #tpu.memory_space<vmem>>, vector<1x16xf32>,
      %swap3A_164 = arith.index_cast %scan3A_158 : i32 to index
      %swap3A_165 = arith.constant 16 : index
      %swap3A_166 = tpu.vector_load %arg18[%swap3A_164, %swap3A_165] {strides = array<i32>} : memref<128x128xf32, #tpu.memory_space<vmem>>, vector<1x16xf32>,
      %swap3A_167 = vector.shape_cast %swap3A_166 : vector<1x16xf32> to vector<16xf32>
      %swap3A_168 = vector.shape_cast %broadcast_in_dim3A_1 : vector<16xf32> to vector<1x16xf32>
      tpu.vector_store %arg18[%swap3A_164, %swap3A_165], %swap3A_168 {strides = array<i32>} : memref<128x128xf32, #tpu.memory_space<vmem>>, vector<1x16xf32>,
      %swap3A_169 = arith.index_cast %scan3A_158 : i32 to index
      %swap3A_170 = arith.constant 32 : index
      %swap3A_171 = tpu.vector_load %arg18[%swap3A_169, %swap3A_170] {strides = array<i32>} : memref<128x128xf32, #tpu.memory_space<vmem>>, vector<1x16xf32>,
      %swap3A_172 = vector.shape_cast %swap3A_171 : vector<1x16xf32> to vector<16xf32>
      %swap3A_173 = vector.shape_cast %broadcast_in_dim3A_1 : vector<16xf32> to vector<1x16xf32>
      tpu.vector_store %arg18[%swap3A_169, %swap3A_170], %swap3A_173 {strides = array<i32>} : memref<128x128xf32, #tpu.memory_space<vmem>>, vector<1x16xf32>,
      %swap3A_174 = arith.index_cast %scan3A_158 : i32 to index
      %swap3A_175 = arith.constant 48 : index
      %swap3A_176 = tpu.vector_load %arg18[%swap3A_174, %swap3A_175] {strides = array<i32>} : memref<128x128xf32, #tpu.memory_space<vmem>>, vector<1x16xf32>,
      %swap3A_177 = vector.shape_cast %swap3A_176 : vector<1x16xf32> to vector<16xf32>
      %swap3A_178 = vector.shape_cast %broadcast_in_dim3A_1 : vector<16xf32> to vector<1x16xf32>
      tpu.vector_store %arg18[%swap3A_174, %swap3A_175], %swap3A_178 {strides = array<i32>} : memref<128x128xf32, #tpu.memory_space<vmem>>, vector<1x16xf32>,
      %swap3A_179 = arith.index_cast %scan3A_158 : i32 to index
      %swap3A_180 = arith.constant 64 : index
      %swap3A_181 = tpu.vector_load %arg18[%swap3A_179, %swap3A_180] {strides = array<i32>} : memref<128x128xf32, #tpu.memory_space<vmem>>, vector<1x16xf32>,
      %swap3A_182 = vector.shape_cast %swap3A_181 : vector<1x16xf32> to vector<16xf32>
      %swap3A_183 = vector.shape_cast %broadcast_in_dim3A_1 : vector<16xf32> to vector<1x16xf32>
      tpu.vector_store %arg18[%swap3A_179, %swap3A_180], %swap3A_183 {strides = array<i32>} : memref<128x128xf32, #tpu.memory_space<vmem>>, vector<1x16xf32>,
      %swap3A_184 = arith.index_cast %scan3A_158 : i32 to index
      %swap3A_185 = arith.constant 80 : index
      %swap3A_186 = tpu.vector_load %arg18[%swap3A_184, %swap3A_185] {strides = array<i32>} : memref<128x128xf32, #tpu.memory_space<vmem>>, vector<1x16xf32>,
      %swap3A_187 = vector.shape_cast %swap3A_186 : vector<1x16xf32> to vector<16xf32>
      %swap3A_188 = vector.shape_cast %broadcast_in_dim3A_1 : vector<16xf32> to vector<1x16xf32>
      tpu.vector_store %arg18[%swap3A_184, %swap3A_185], %swap3A_188 {strides = array<i32>} : memref<128x128xf32, #tpu.memory_space<vmem>>, vector<1x16xf32>,
      %swap3A_189 = arith.index_cast %scan3A_158 : i32 to index
      %swap3A_190 = arith.constant 96 : index
      %swap3A_191 = tpu.vector_load %arg18[%swap3A_189, %swap3A_190] {strides = array<i32>} : memref<128x128xf32, #tpu.memory_space<vmem>>, vector<1x16xf32>,
      %swap3A_192 = vector.shape_cast %swap3A_191 : vector<1x16xf32> to vector<16xf32>
      %swap3A_193 = vector.shape_cast %broadcast_in_dim3A_1 : vector<16xf32> to vector<1x16xf32>
      tpu.vector_store %arg18[%swap3A_189, %swap3A_190], %swap3A_193 {strides = array<i32>} : memref<128x128xf32, #tpu.memory_space<vmem>>, vector<1x16xf32>,
      %swap3A_194 = arith.index_cast %scan3A_158 : i32 to index
      %swap3A_195 = arith.constant 112 : index
      %swap3A_196 = tpu.vector_load %arg18[%swap3A_194, %swap3A_195] {strides = array<i32>} : memref<128x128xf32, #tpu.memory_space<vmem>>, vector<1x16xf32>,
      %swap3A_197 = vector.shape_cast %swap3A_196 : vector<1x16xf32> to vector<16xf32>
      %swap3A_198 = vector.shape_cast %broadcast_in_dim3A_1 : vector<16xf32> to vector<1x16xf32>
      tpu.vector_store %arg18[%swap3A_194, %swap3A_195], %swap3A_198 {strides = array<i32>} : memref<128x128xf32, #tpu.memory_space<vmem>>, vector<1x16xf32>,
      %scan3A_199 = arith.constant 0 : i32
      scf.yield %scan3A_199 : i32
    }
    %scan3A_7 = arith.constant 128 : i32
    %mul3A_8 = arith.constant 624 : i32
    %mul3A_9 = arith.muli %arg1, %mul3A_8 : i32
    %add3A_10 = arith.constant 0 : i32
    %add3A_11 = arith.addi %mul3A_9, %add3A_10 : i32
    "tpu.region"() ({
      %run_scoped3A = tpu.sem_alloc : memref<!tpu.dma_semaphore, #tpu.memory_space<semaphore_mem>>
      %dma_start3A_158 = arith.constant 0 : i32
      %dma_start3A_159 = tpu.memref_slice %arg21[%add3A_11, %dma_start3A_158] : memref<10000x128xf32, #tpu.memory_space<vmem_shared>> -> memref<128x128xf32, #tpu.memory_space<vmem_shared>>
      %dma_start3A_160 = arith.constant 0 : i32
      %dma_start3A_161 = tpu.memref_slice %arg21[%add3A_11, %dma_start3A_160] : memref<10000x128xf32, #tpu.memory_space<vmem_shared>> -> memref<128x128xf32, #tpu.memory_space<vmem_shared>>
      tpu.enqueue_dma source(%arg18 : memref<128x128xf32, #tpu.memory_space<vmem>>) target(%dma_start3A_161 : memref<128x128xf32, #tpu.memory_space<vmem_shared>>) target_semaphore(%run_scoped3A : memref<!tpu.dma_semaphore, #tpu.memory_space<semaphore_mem>>)
      %dma_wait3A_162 = arith.constant 0 : i32
      %dma_wait3A_163 = tpu.memref_slice %arg21[%add3A_11, %dma_wait3A_162] : memref<10000x128xf32, #tpu.memory_space<vmem_shared>> -> memref<128x128xf32, #tpu.memory_space<vmem_shared>>
      %dma_wait3A_164 = arith.constant 0 : i32
      %dma_wait3A_165 = tpu.memref_slice %arg21[%add3A_11, %dma_wait3A_164] : memref<10000x128xf32, #tpu.memory_space<vmem_shared>> -> memref<128x128xf32, #tpu.memory_space<vmem_shared>>
      tpu.wait_dma2 semaphore(%run_scoped3A : memref<!tpu.dma_semaphore, #tpu.memory_space<semaphore_mem>>) src(%arg18 : memref<128x128xf32, #tpu.memory_space<vmem>>) dst(%dma_wait3A_165 : memref<128x128xf32, #tpu.memory_space<vmem_shared>>)
      tpu.yield
    }) : () -> ()
    %add3A_12 = arith.constant 128 : i32
    %add3A_13 = arith.addi %mul3A_9, %add3A_12 : i32
    "tpu.region"() ({
      %run_scoped3A = tpu.sem_alloc : memref<!tpu.dma_semaphore, #tpu.memory_space<semaphore_mem>>
      %dma_start3A_158 = arith.constant 0 : i32
      %dma_start3A_159 = tpu.memref_slice %arg21[%add3A_13, %dma_start3A_158] : memref<10000x128xf32, #tpu.memory_space<vmem_shared>> -> memref<128x128xf32, #tpu.memory_space<vmem_shared>>
      %dma_start3A_160 = arith.constant 0 : i32
      %dma_start3A_161 = tpu.memref_slice %arg21[%add3A_13, %dma_start3A_160] : memref<10000x128xf32, #tpu.memory_space<vmem_shared>> -> memref<128x128xf32, #tpu.memory_space<vmem_shared>>
      tpu.enqueue_dma source(%arg18 : memref<128x128xf32, #tpu.memory_space<vmem>>) target(%dma_start3A_161 : memref<128x128xf32, #tpu.memory_space<vmem_shared>>) target_semaphore(%run_scoped3A : memref<!tpu.dma_semaphore, #tpu.memory_space<semaphore_mem>>)
      %dma_wait3A_162 = arith.constant 0 : i32
      %dma_wait3A_163 = tpu.memref_slice %arg21[%add3A_13, %dma_wait3A_162] : memref<10000x128xf32, #tpu.memory_space<vmem_shared>> -> memref<128x128xf32, #tpu.memory_space<vmem_shared>>
      %dma_wait3A_164 = arith.constant 0 : i32
      %dma_wait3A_165 = tpu.memref_slice %arg21[%add3A_13, %dma_wait3A_164] : memref<10000x128xf32, #tpu.memory_space<vmem_shared>> -> memref<128x128xf32, #tpu.memory_space<vmem_shared>>
      tpu.wait_dma2 semaphore(%run_scoped3A : memref<!tpu.dma_semaphore, #tpu.memory_space<semaphore_mem>>) src(%arg18 : memref<128x128xf32, #tpu.memory_space<vmem>>) dst(%dma_wait3A_165 : memref<128x128xf32, #tpu.memory_space<vmem_shared>>)
      tpu.yield
    }) : () -> ()
    %add3A_14 = arith.constant 256 : i32
    %add3A_15 = arith.addi %mul3A_9, %add3A_14 : i32
    "tpu.region"() ({
      %run_scoped3A = tpu.sem_alloc : memref<!tpu.dma_semaphore, #tpu.memory_space<semaphore_mem>>
      %dma_start3A_158 = arith.constant 0 : i32
      %dma_start3A_159 = tpu.memref_slice %arg21[%add3A_15, %dma_start3A_158] : memref<10000x128xf32, #tpu.memory_space<vmem_shared>> -> memref<128x128xf32, #tpu.memory_space<vmem_shared>>
      %dma_start3A_160 = arith.constant 0 : i32
      %dma_start3A_161 = tpu.memref_slice %arg21[%add3A_15, %dma_start3A_160] : memref<10000x128xf32, #tpu.memory_space<vmem_shared>> -> memref<128x128xf32, #tpu.memory_space<vmem_shared>>
      tpu.enqueue_dma source(%arg18 : memref<128x128xf32, #tpu.memory_space<vmem>>) target(%dma_start3A_161 : memref<128x128xf32, #tpu.memory_space<vmem_shared>>) target_semaphore(%run_scoped3A : memref<!tpu.dma_semaphore, #tpu.memory_space<semaphore_mem>>)
      %dma_wait3A_162 = arith.constant 0 : i32
      %dma_wait3A_163 = tpu.memref_slice %arg21[%add3A_15, %dma_wait3A_162] : memref<10000x128xf32, #tpu.memory_space<vmem_shared>> -> memref<128x128xf32, #tpu.memory_space<vmem_shared>>
      %dma_wait3A_164 = arith.constant 0 : i32
      %dma_wait3A_165 = tpu.memref_slice %arg21[%add3A_15, %dma_wait3A_164] : memref<10000x128xf32, #tpu.memory_space<vmem_shared>> -> memref<128x128xf32, #tpu.memory_space<vmem_shared>>
      tpu.wait_dma2 semaphore(%run_scoped3A : memref<!tpu.dma_semaphore, #tpu.memory_space<semaphore_mem>>) src(%arg18 : memref<128x128xf32, #tpu.memory_space<vmem>>) dst(%dma_wait3A_165 : memref<128x128xf32, #tpu.memory_space<vmem_shared>>)
      tpu.yield
    }) : () -> ()
    %add3A_16 = arith.constant 384 : i32
    %add3A_17 = arith.addi %mul3A_9, %add3A_16 : i32
    "tpu.region"() ({
      %run_scoped3A = tpu.sem_alloc : memref<!tpu.dma_semaphore, #tpu.memory_space<semaphore_mem>>
      %dma_start3A_158 = arith.constant 0 : i32
      %dma_start3A_159 = tpu.memref_slice %arg21[%add3A_17, %dma_start3A_158] : memref<10000x128xf32, #tpu.memory_space<vmem_shared>> -> memref<128x128xf32, #tpu.memory_space<vmem_shared>>
      %dma_start3A_160 = arith.constant 0 : i32
      %dma_start3A_161 = tpu.memref_slice %arg21[%add3A_17, %dma_start3A_160] : memref<10000x128xf32, #tpu.memory_space<vmem_shared>> -> memref<128x128xf32, #tpu.memory_space<vmem_shared>>
      tpu.enqueue_dma source(%arg18 : memref<128x128xf32, #tpu.memory_space<vmem>>) target(%dma_start3A_161 : memref<128x128xf32, #tpu.memory_space<vmem_shared>>) target_semaphore(%run_scoped3A : memref<!tpu.dma_semaphore, #tpu.memory_space<semaphore_mem>>)
      %dma_wait3A_162 = arith.constant 0 : i32
      %dma_wait3A_163 = tpu.memref_slice %arg21[%add3A_17, %dma_wait3A_162] : memref<10000x128xf32, #tpu.memory_space<vmem_shared>> -> memref<128x128xf32, #tpu.memory_space<vmem_shared>>
      %dma_wait3A_164 = arith.constant 0 : i32
      %dma_wait3A_165 = tpu.memref_slice %arg21[%add3A_17, %dma_wait3A_164] : memref<10000x128xf32, #tpu.memory_space<vmem_shared>> -> memref<128x128xf32, #tpu.memory_space<vmem_shared>>
      tpu.wait_dma2 semaphore(%run_scoped3A : memref<!tpu.dma_semaphore, #tpu.memory_space<semaphore_mem>>) src(%arg18 : memref<128x128xf32, #tpu.memory_space<vmem>>) dst(%dma_wait3A_165 : memref<128x128xf32, #tpu.memory_space<vmem_shared>>)
      tpu.yield
    }) : () -> ()
    %add3A_18 = arith.constant 624 : i32
    %add3A_19 = arith.addi %mul3A_9, %add3A_18 : i32
    %sub3A = arith.constant 112 : i32
    %sub3A_20 = arith.subi %add3A_19, %sub3A : i32
    "tpu.region"() ({
      %run_scoped3A = tpu.sem_alloc : memref<!tpu.dma_semaphore, #tpu.memory_space<semaphore_mem>>
      %dma_start3A_158 = arith.constant 0 : i32
      %dma_start3A_159 = arith.constant 0 : i32
      %dma_start3A_160 = tpu.memref_slice %arg18[%dma_start3A_158, %dma_start3A_159] : memref<128x128xf32, #tpu.memory_space<vmem>> -> memref<112x128xf32, #tpu.memory_space<vmem>>
      %dma_start3A_161 = arith.constant 0 : i32
      %dma_start3A_162 = tpu.memref_slice %arg21[%sub3A_20, %dma_start3A_161] : memref<10000x128xf32, #tpu.memory_space<vmem_shared>> -> memref<112x128xf32, #tpu.memory_space<vmem_shared>>
      %dma_start3A_163 = arith.constant 0 : i32
      %dma_start3A_164 = tpu.memref_slice %arg21[%sub3A_20, %dma_start3A_163] : memref<10000x128xf32, #tpu.memory_space<vmem_shared>> -> memref<112x128xf32, #tpu.memory_space<vmem_shared>>
      %dma_start3A_165 = arith.constant 0 : i32
      %dma_start3A_166 = arith.constant 0 : i32
      %dma_start3A_167 = tpu.memref_slice %arg18[%dma_start3A_165, %dma_start3A_166] : memref<128x128xf32, #tpu.memory_space<vmem>> -> memref<112x128xf32, #tpu.memory_space<vmem>>
      tpu.enqueue_dma source(%dma_start3A_167 : memref<112x128xf32, #tpu.memory_space<vmem>>) target(%dma_start3A_164 : memref<112x128xf32, #tpu.memory_space<vmem_shared>>) target_semaphore(%run_scoped3A : memref<!tpu.dma_semaphore, #tpu.memory_space<semaphore_mem>>)
      %dma_wait3A_168 = arith.constant 0 : i32
      %dma_wait3A_169 = arith.constant 0 : i32
      %dma_wait3A_170 = tpu.memref_slice %arg18[%dma_wait3A_168, %dma_wait3A_169] : memref<128x128xf32, #tpu.memory_space<vmem>> -> memref<112x128xf32, #tpu.memory_space<vmem>>
      %dma_wait3A_171 = arith.constant 0 : i32
      %dma_wait3A_172 = tpu.memref_slice %arg21[%sub3A_20, %dma_wait3A_171] : memref<10000x128xf32, #tpu.memory_space<vmem_shared>> -> memref<112x128xf32, #tpu.memory_space<vmem_shared>>
      %dma_wait3A_173 = arith.constant 0 : i32
      %dma_wait3A_174 = tpu.memref_slice %arg21[%sub3A_20, %dma_wait3A_173] : memref<10000x128xf32, #tpu.memory_space<vmem_shared>> -> memref<112x128xf32, #tpu.memory_space<vmem_shared>>
      %dma_wait3A_175 = arith.constant 0 : i32
      %dma_wait3A_176 = arith.constant 0 : i32
      %dma_wait3A_177 = tpu.memref_slice %arg18[%dma_wait3A_175, %dma_wait3A_176] : memref<128x128xf32, #tpu.memory_space<vmem>> -> memref<112x128xf32, #tpu.memory_space<vmem>>
      tpu.wait_dma2 semaphore(%run_scoped3A : memref<!tpu.dma_semaphore, #tpu.memory_space<semaphore_mem>>) src(%dma_wait3A_177 : memref<112x128xf32, #tpu.memory_space<vmem>>) dst(%dma_wait3A_174 : memref<112x128xf32, #tpu.memory_space<vmem_shared>>)
      tpu.yield
    }) : () -> ()
    %eq3A = arith.constant 15 : i32
    %eq3A_21 = arith.cmpi eq, %arg1, %eq3A : i32
    %convert_element_type3A = arith.extui %eq3A_21 : i1 to i32
    %cond3A = arith.constant 0 : i32
    %cond3A_22 = arith.cmpi ne, %convert_element_type3A, %cond3A : i32
    scf.if %cond3A_22 {
      "tpu.region"() ({
        %run_scoped3A = tpu.sem_alloc : memref<!tpu.dma_semaphore, #tpu.memory_space<semaphore_mem>>
        %dma_start3A_158 = arith.constant 0 : i32
        %dma_start3A_159 = arith.constant 0 : i32
        %dma_start3A_160 = tpu.memref_slice %arg18[%dma_start3A_158, %dma_start3A_159] : memref<128x128xf32, #tpu.memory_space<vmem>> -> memref<16x128xf32, #tpu.memory_space<vmem>>
        %dma_start3A_161 = arith.constant 9984 : i32
        %dma_start3A_162 = arith.constant 0 : i32
        %dma_start3A_163 = tpu.memref_slice %arg21[%dma_start3A_161, %dma_start3A_162] : memref<10000x128xf32, #tpu.memory_space<vmem_shared>> -> memref<16x128xf32, #tpu.memory_space<vmem_shared>>
        %dma_start3A_164 = arith.constant 9984 : i32
        %dma_start3A_165 = arith.constant 0 : i32
        %dma_start3A_166 = tpu.memref_slice %arg21[%dma_start3A_164, %dma_start3A_165] : memref<10000x128xf32, #tpu.memory_space<vmem_shared>> -> memref<16x128xf32, #tpu.memory_space<vmem_shared>>
        %dma_start3A_167 = arith.constant 0 : i32
        %dma_start3A_168 = arith.constant 0 : i32
        %dma_start3A_169 = tpu.memref_slice %arg18[%dma_start3A_167, %dma_start3A_168] : memref<128x128xf32, #tpu.memory_space<vmem>> -> memref<16x128xf32, #tpu.memory_space<vmem>>
        tpu.enqueue_dma source(%dma_start3A_169 : memref<16x128xf32, #tpu.memory_space<vmem>>) target(%dma_start3A_166 : memref<16x128xf32, #tpu.memory_space<vmem_shared>>) target_semaphore(%run_scoped3A : memref<!tpu.dma_semaphore, #tpu.memory_space<semaphore_mem>>)
        %dma_wait3A_170 = arith.constant 0 : i32
        %dma_wait3A_171 = arith.constant 0 : i32
        %dma_wait3A_172 = tpu.memref_slice %arg18[%dma_wait3A_170, %dma_wait3A_171] : memref<128x128xf32, #tpu.memory_space<vmem>> -> memref<16x128xf32, #tpu.memory_space<vmem>>
        %dma_wait3A_173 = arith.constant 9984 : i32
        %dma_wait3A_174 = arith.constant 0 : i32
        %dma_wait3A_175 = tpu.memref_slice %arg21[%dma_wait3A_173, %dma_wait3A_174] : memref<10000x128xf32, #tpu.memory_space<vmem_shared>> -> memref<16x128xf32, #tpu.memory_space<vmem_shared>>
        %dma_wait3A_176 = arith.constant 9984 : i32
        %dma_wait3A_177 = arith.constant 0 : i32
        %dma_wait3A_178 = tpu.memref_slice %arg21[%dma_wait3A_176, %dma_wait3A_177] : memref<10000x128xf32, #tpu.memory_space<vmem_shared>> -> memref<16x128xf32, #tpu.memory_space<vmem_shared>>
        %dma_wait3A_179 = arith.constant 0 : i32
        %dma_wait3A_180 = arith.constant 0 : i32
        %dma_wait3A_181 = tpu.memref_slice %arg18[%dma_wait3A_179, %dma_wait3A_180] : memref<128x128xf32, #tpu.memory_space<vmem>> -> memref<16x128xf32, #tpu.memory_space<vmem>>
        tpu.wait_dma2 semaphore(%run_scoped3A : memref<!tpu.dma_semaphore, #tpu.memory_space<semaphore_mem>>) src(%dma_wait3A_181 : memref<16x128xf32, #tpu.memory_space<vmem>>) dst(%dma_wait3A_178 : memref<16x128xf32, #tpu.memory_space<vmem_shared>>)
        tpu.yield
      }) : () -> ()
    } else {
    }
    %barrier3A = arith.constant 0 : index
    tpu.barrier barrier_id(%barrier3A)
    %add3A_23 = arith.constant 0 : i32
    %add3A_24 = arith.addi %add3A_23, %add3A : i32
    %mul3A_25 = arith.constant 128 : i32
    %mul3A_26 = arith.muli %add3A_24, %mul3A_25 : i32
    %dma_start3A = arith.constant 0 : i32
    %dma_start3A_27 = tpu.memref_slice %arg3[%dma_start3A, %mul3A_26] : memref<2x320000xi32, #tpu.memory_space<hbm>> -> memref<1x128xi32, #tpu.memory_space<hbm>>
    %dma_start3A_28 = tpu.memref_squeeze %dma_start3A_27 : memref<1x128xi32, #tpu.memory_space<hbm>> -> memref<128xi32, #tpu.memory_space<hbm>>
    %dma_start3A_29 = tpu.memref_slice %arg3[%dma_start3A, %mul3A_26] : memref<2x320000xi32, #tpu.memory_space<hbm>> -> memref<1x128xi32, #tpu.memory_space<hbm>>
    %dma_start3A_30 = tpu.memref_squeeze %dma_start3A_29 : memref<1x128xi32, #tpu.memory_space<hbm>> -> memref<128xi32, #tpu.memory_space<hbm>>
    tpu.enqueue_dma source(%dma_start3A_30 : memref<128xi32, #tpu.memory_space<hbm>>) target(%arg12 : memref<128xi32, #tpu.memory_space<vmem>>) target_semaphore(%arg25 : memref<!tpu.dma_semaphore, #tpu.memory_space<semaphore_mem>>)
    %dma_start3A_31 = tpu.memref_slice %arg4[%mul3A_26] : memref<320000xi32, #tpu.memory_space<hbm>> -> memref<128xi32, #tpu.memory_space<hbm>>
    %dma_start3A_32 = tpu.memref_slice %arg4[%mul3A_26] : memref<320000xi32, #tpu.memory_space<hbm>> -> memref<128xi32, #tpu.memory_space<hbm>>
    tpu.enqueue_dma source(%dma_start3A_32 : memref<128xi32, #tpu.memory_space<hbm>>) target(%arg6 : memref<128xi32, #tpu.memory_space<vmem>>) target_semaphore(%arg25 : memref<!tpu.dma_semaphore, #tpu.memory_space<semaphore_mem>>)
    %add3A_33 = arith.constant 32 : i32
    %add3A_34 = arith.addi %add3A_33, %add3A : i32
    %mul3A_35 = arith.constant 128 : i32
    %mul3A_36 = arith.muli %add3A_34, %mul3A_35 : i32
    %dma_start3A_37 = arith.constant 0 : i32
    %dma_start3A_38 = tpu.memref_slice %arg3[%dma_start3A_37, %mul3A_36] : memref<2x320000xi32, #tpu.memory_space<hbm>> -> memref<1x128xi32, #tpu.memory_space<hbm>>
    %dma_start3A_39 = tpu.memref_squeeze %dma_start3A_38 : memref<1x128xi32, #tpu.memory_space<hbm>> -> memref<128xi32, #tpu.memory_space<hbm>>
    %dma_start3A_40 = tpu.memref_slice %arg3[%dma_start3A_37, %mul3A_36] : memref<2x320000xi32, #tpu.memory_space<hbm>> -> memref<1x128xi32, #tpu.memory_space<hbm>>
    %dma_start3A_41 = tpu.memref_squeeze %dma_start3A_40 : memref<1x128xi32, #tpu.memory_space<hbm>> -> memref<128xi32, #tpu.memory_space<hbm>>
    tpu.enqueue_dma source(%dma_start3A_41 : memref<128xi32, #tpu.memory_space<hbm>>) target(%arg13 : memref<128xi32, #tpu.memory_space<vmem>>) target_semaphore(%arg26 : memref<!tpu.dma_semaphore, #tpu.memory_space<semaphore_mem>>)
    %dma_start3A_42 = tpu.memref_slice %arg4[%mul3A_36] : memref<320000xi32, #tpu.memory_space<hbm>> -> memref<128xi32, #tpu.memory_space<hbm>>
    %dma_start3A_43 = tpu.memref_slice %arg4[%mul3A_36] : memref<320000xi32, #tpu.memory_space<hbm>> -> memref<128xi32, #tpu.memory_space<hbm>>
    tpu.enqueue_dma source(%dma_start3A_43 : memref<128xi32, #tpu.memory_space<hbm>>) target(%arg7 : memref<128xi32, #tpu.memory_space<vmem>>) target_semaphore(%arg26 : memref<!tpu.dma_semaphore, #tpu.memory_space<semaphore_mem>>)
    %add3A_44 = arith.constant 64 : i32
    %add3A_45 = arith.addi %add3A_44, %add3A : i32
    %mul3A_46 = arith.constant 128 : i32
    %mul3A_47 = arith.muli %add3A_45, %mul3A_46 : i32
    %dma_start3A_48 = arith.constant 0 : i32
    %dma_start3A_49 = tpu.memref_slice %arg3[%dma_start3A_48, %mul3A_47] : memref<2x320000xi32, #tpu.memory_space<hbm>> -> memref<1x128xi32, #tpu.memory_space<hbm>>
    %dma_start3A_50 = tpu.memref_squeeze %dma_start3A_49 : memref<1x128xi32, #tpu.memory_space<hbm>> -> memref<128xi32, #tpu.memory_space<hbm>>
    %dma_start3A_51 = tpu.memref_slice %arg3[%dma_start3A_48, %mul3A_47] : memref<2x320000xi32, #tpu.memory_space<hbm>> -> memref<1x128xi32, #tpu.memory_space<hbm>>
    %dma_start3A_52 = tpu.memref_squeeze %dma_start3A_51 : memref<1x128xi32, #tpu.memory_space<hbm>> -> memref<128xi32, #tpu.memory_space<hbm>>
    tpu.enqueue_dma source(%dma_start3A_52 : memref<128xi32, #tpu.memory_space<hbm>>) target(%arg14 : memref<128xi32, #tpu.memory_space<vmem>>) target_semaphore(%arg27 : memref<!tpu.dma_semaphore, #tpu.memory_space<semaphore_mem>>)
    %dma_start3A_53 = tpu.memref_slice %arg4[%mul3A_47] : memref<320000xi32, #tpu.memory_space<hbm>> -> memref<128xi32, #tpu.memory_space<hbm>>
    %dma_start3A_54 = tpu.memref_slice %arg4[%mul3A_47] : memref<320000xi32, #tpu.memory_space<hbm>> -> memref<128xi32, #tpu.memory_space<hbm>>
    tpu.enqueue_dma source(%dma_start3A_54 : memref<128xi32, #tpu.memory_space<hbm>>) target(%arg8 : memref<128xi32, #tpu.memory_space<vmem>>) target_semaphore(%arg27 : memref<!tpu.dma_semaphore, #tpu.memory_space<semaphore_mem>>)
    %add3A_55 = arith.constant 96 : i32
    %add3A_56 = arith.addi %add3A_55, %add3A : i32
    %mul3A_57 = arith.constant 128 : i32
    %mul3A_58 = arith.muli %add3A_56, %mul3A_57 : i32
    %dma_start3A_59 = arith.constant 0 : i32
    %dma_start3A_60 = tpu.memref_slice %arg3[%dma_start3A_59, %mul3A_58] : memref<2x320000xi32, #tpu.memory_space<hbm>> -> memref<1x128xi32, #tpu.memory_space<hbm>>
    %dma_start3A_61 = tpu.memref_squeeze %dma_start3A_60 : memref<1x128xi32, #tpu.memory_space<hbm>> -> memref<128xi32, #tpu.memory_space<hbm>>
    %dma_start3A_62 = tpu.memref_slice %arg3[%dma_start3A_59, %mul3A_58] : memref<2x320000xi32, #tpu.memory_space<hbm>> -> memref<1x128xi32, #tpu.memory_space<hbm>>
    %dma_start3A_63 = tpu.memref_squeeze %dma_start3A_62 : memref<1x128xi32, #tpu.memory_space<hbm>> -> memref<128xi32, #tpu.memory_space<hbm>>
    tpu.enqueue_dma source(%dma_start3A_63 : memref<128xi32, #tpu.memory_space<hbm>>) target(%arg15 : memref<128xi32, #tpu.memory_space<vmem>>) target_semaphore(%arg28 : memref<!tpu.dma_semaphore, #tpu.memory_space<semaphore_mem>>)
    %dma_start3A_64 = tpu.memref_slice %arg4[%mul3A_58] : memref<320000xi32, #tpu.memory_space<hbm>> -> memref<128xi32, #tpu.memory_space<hbm>>
    %dma_start3A_65 = tpu.memref_slice %arg4[%mul3A_58] : memref<320000xi32, #tpu.memory_space<hbm>> -> memref<128xi32, #tpu.memory_space<hbm>>
    tpu.enqueue_dma source(%dma_start3A_65 : memref<128xi32, #tpu.memory_space<hbm>>) target(%arg9 : memref<128xi32, #tpu.memory_space<vmem>>) target_semaphore(%arg28 : memref<!tpu.dma_semaphore, #tpu.memory_space<semaphore_mem>>)
    %add3A_66 = arith.constant 128 : i32
    %add3A_67 = arith.addi %add3A_66, %add3A : i32
    %mul3A_68 = arith.constant 128 : i32
    %mul3A_69 = arith.muli %add3A_67, %mul3A_68 : i32
    %dma_start3A_70 = arith.constant 0 : i32
    %dma_start3A_71 = tpu.memref_slice %arg3[%dma_start3A_70, %mul3A_69] : memref<2x320000xi32, #tpu.memory_space<hbm>> -> memref<1x128xi32, #tpu.memory_space<hbm>>
    %dma_start3A_72 = tpu.memref_squeeze %dma_start3A_71 : memref<1x128xi32, #tpu.memory_space<hbm>> -> memref<128xi32, #tpu.memory_space<hbm>>
    %dma_start3A_73 = tpu.memref_slice %arg3[%dma_start3A_70, %mul3A_69] : memref<2x320000xi32, #tpu.memory_space<hbm>> -> memref<1x128xi32, #tpu.memory_space<hbm>>
    %dma_start3A_74 = tpu.memref_squeeze %dma_start3A_73 : memref<1x128xi32, #tpu.memory_space<hbm>> -> memref<128xi32, #tpu.memory_space<hbm>>
    tpu.enqueue_dma source(%dma_start3A_74 : memref<128xi32, #tpu.memory_space<hbm>>) target(%arg16 : memref<128xi32, #tpu.memory_space<vmem>>) target_semaphore(%arg29 : memref<!tpu.dma_semaphore, #tpu.memory_space<semaphore_mem>>)
    %dma_start3A_75 = tpu.memref_slice %arg4[%mul3A_69] : memref<320000xi32, #tpu.memory_space<hbm>> -> memref<128xi32, #tpu.memory_space<hbm>>
    %dma_start3A_76 = tpu.memref_slice %arg4[%mul3A_69] : memref<320000xi32, #tpu.memory_space<hbm>> -> memref<128xi32, #tpu.memory_space<hbm>>
    tpu.enqueue_dma source(%dma_start3A_76 : memref<128xi32, #tpu.memory_space<hbm>>) target(%arg10 : memref<128xi32, #tpu.memory_space<vmem>>) target_semaphore(%arg29 : memref<!tpu.dma_semaphore, #tpu.memory_space<semaphore_mem>>)
    %add3A_77 = arith.constant 160 : i32
    %add3A_78 = arith.addi %add3A_77, %add3A : i32
    %mul3A_79 = arith.constant 128 : i32
    %mul3A_80 = arith.muli %add3A_78, %mul3A_79 : i32
    %dma_start3A_81 = arith.constant 0 : i32
    %dma_start3A_82 = tpu.memref_slice %arg3[%dma_start3A_81, %mul3A_80] : memref<2x320000xi32, #tpu.memory_space<hbm>> -> memref<1x128xi32, #tpu.memory_space<hbm>>
    %dma_start3A_83 = tpu.memref_squeeze %dma_start3A_82 : memref<1x128xi32, #tpu.memory_space<hbm>> -> memref<128xi32, #tpu.memory_space<hbm>>
    %dma_start3A_84 = tpu.memref_slice %arg3[%dma_start3A_81, %mul3A_80] : memref<2x320000xi32, #tpu.memory_space<hbm>> -> memref<1x128xi32, #tpu.memory_space<hbm>>
    %dma_start3A_85 = tpu.memref_squeeze %dma_start3A_84 : memref<1x128xi32, #tpu.memory_space<hbm>> -> memref<128xi32, #tpu.memory_space<hbm>>
    tpu.enqueue_dma source(%dma_start3A_85 : memref<128xi32, #tpu.memory_space<hbm>>) target(%arg17 : memref<128xi32, #tpu.memory_space<vmem>>) target_semaphore(%arg30 : memref<!tpu.dma_semaphore, #tpu.memory_space<semaphore_mem>>)
    %dma_start3A_86 = tpu.memref_slice %arg4[%mul3A_80] : memref<320000xi32, #tpu.memory_space<hbm>> -> memref<128xi32, #tpu.memory_space<hbm>>
    %dma_start3A_87 = tpu.memref_slice %arg4[%mul3A_80] : memref<320000xi32, #tpu.memory_space<hbm>> -> memref<128xi32, #tpu.memory_space<hbm>>
    tpu.enqueue_dma source(%dma_start3A_87 : memref<128xi32, #tpu.memory_space<hbm>>) target(%arg11 : memref<128xi32, #tpu.memory_space<vmem>>) target_semaphore(%arg30 : memref<!tpu.dma_semaphore, #tpu.memory_space<semaphore_mem>>)
    %add3A_88 = arith.constant 0 : i32
    %add3A_89 = arith.addi %add3A_88, %add3A : i32
    %mul3A_90 = arith.constant 128 : i32
    %mul3A_91 = arith.muli %add3A_89, %mul3A_90 : i32
    %dma_wait3A = arith.constant 0 : i32
    %dma_wait3A_92 = tpu.memref_slice %arg3[%dma_wait3A, %mul3A_91] : memref<2x320000xi32, #tpu.memory_space<hbm>> -> memref<1x128xi32, #tpu.memory_space<hbm>>
    %dma_wait3A_93 = tpu.memref_squeeze %dma_wait3A_92 : memref<1x128xi32, #tpu.memory_space<hbm>> -> memref<128xi32, #tpu.memory_space<hbm>>
    %dma_wait3A_94 = tpu.memref_slice %arg3[%dma_wait3A, %mul3A_91] : memref<2x320000xi32, #tpu.memory_space<hbm>> -> memref<1x128xi32, #tpu.memory_space<hbm>>
    %dma_wait3A_95 = tpu.memref_squeeze %dma_wait3A_94 : memref<1x128xi32, #tpu.memory_space<hbm>> -> memref<128xi32, #tpu.memory_space<hbm>>
    tpu.wait_dma2 semaphore(%arg25 : memref<!tpu.dma_semaphore, #tpu.memory_space<semaphore_mem>>) src(%dma_wait3A_95 : memref<128xi32, #tpu.memory_space<hbm>>) dst(%arg12 : memref<128xi32, #tpu.memory_space<vmem>>)
    %dma_wait3A_96 = tpu.memref_slice %arg4[%mul3A_91] : memref<320000xi32, #tpu.memory_space<hbm>> -> memref<128xi32, #tpu.memory_space<hbm>>
    %dma_wait3A_97 = tpu.memref_slice %arg4[%mul3A_91] : memref<320000xi32, #tpu.memory_space<hbm>> -> memref<128xi32, #tpu.memory_space<hbm>>
    tpu.wait_dma2 semaphore(%arg25 : memref<!tpu.dma_semaphore, #tpu.memory_space<semaphore_mem>>) src(%dma_wait3A_97 : memref<128xi32, #tpu.memory_space<hbm>>) dst(%arg6 : memref<128xi32, #tpu.memory_space<vmem>>)
    %dma_start3A_98 = arith.constant 0 : i32
    %dma_start3A_99 = arith.constant 0 : i32
    %dma_start3A_100 = tpu.memref_slice %arg2[%dma_start3A_98, %dma_start3A_99] : memref<10000x128xf32, #tpu.memory_space<hbm>> -> memref<10000x128xf32, #tpu.memory_space<hbm>>
    tpu.enqueue_indirect_dma source(%dma_start3A_100 : memref<10000x128xf32, #tpu.memory_space<hbm>>) target(%arg18 : memref<128x128xf32, #tpu.memory_space<vmem>>) offsets(%arg6 : memref<128xi32, #tpu.memory_space<vmem>>) semaphore(%arg22 : memref<!tpu.dma_semaphore, #tpu.memory_space<semaphore_mem>>)
    %add3A_101 = arith.constant 32 : i32
    %add3A_102 = arith.addi %add3A_101, %add3A : i32
    %mul3A_103 = arith.constant 128 : i32
    %mul3A_104 = arith.muli %add3A_102, %mul3A_103 : i32
    %dma_wait3A_105 = arith.constant 0 : i32
    %dma_wait3A_106 = tpu.memref_slice %arg3[%dma_wait3A_105, %mul3A_104] : memref<2x320000xi32, #tpu.memory_space<hbm>> -> memref<1x128xi32, #tpu.memory_space<hbm>>
    %dma_wait3A_107 = tpu.memref_squeeze %dma_wait3A_106 : memref<1x128xi32, #tpu.memory_space<hbm>> -> memref<128xi32, #tpu.memory_space<hbm>>
    %dma_wait3A_108 = tpu.memref_slice %arg3[%dma_wait3A_105, %mul3A_104] : memref<2x320000xi32, #tpu.memory_space<hbm>> -> memref<1x128xi32, #tpu.memory_space<hbm>>
    %dma_wait3A_109 = tpu.memref_squeeze %dma_wait3A_108 : memref<1x128xi32, #tpu.memory_space<hbm>> -> memref<128xi32, #tpu.memory_space<hbm>>
    tpu.wait_dma2 semaphore(%arg26 : memref<!tpu.dma_semaphore, #tpu.memory_space<semaphore_mem>>) src(%dma_wait3A_109 : memref<128xi32, #tpu.memory_space<hbm>>) dst(%arg13 : memref<128xi32, #tpu.memory_space<vmem>>)
    %dma_wait3A_110 = tpu.memref_slice %arg4[%mul3A_104] : memref<320000xi32, #tpu.memory_space<hbm>> -> memref<128xi32, #tpu.memory_space<hbm>>
    %dma_wait3A_111 = tpu.memref_slice %arg4[%mul3A_104] : memref<320000xi32, #tpu.memory_space<hbm>> -> memref<128xi32, #tpu.memory_space<hbm>>
    tpu.wait_dma2 semaphore(%arg26 : memref<!tpu.dma_semaphore, #tpu.memory_space<semaphore_mem>>) src(%dma_wait3A_111 : memref<128xi32, #tpu.memory_space<hbm>>) dst(%arg7 : memref<128xi32, #tpu.memory_space<vmem>>)
    %dma_start3A_112 = arith.constant 0 : i32
    %dma_start3A_113 = arith.constant 0 : i32
    %dma_start3A_114 = tpu.memref_slice %arg2[%dma_start3A_112, %dma_start3A_113] : memref<10000x128xf32, #tpu.memory_space<hbm>> -> memref<10000x128xf32, #tpu.memory_space<hbm>>
    tpu.enqueue_indirect_dma source(%dma_start3A_114 : memref<10000x128xf32, #tpu.memory_space<hbm>>) target(%arg19 : memref<128x128xf32, #tpu.memory_space<vmem>>) offsets(%arg7 : memref<128xi32, #tpu.memory_space<vmem>>) semaphore(%arg23 : memref<!tpu.dma_semaphore, #tpu.memory_space<semaphore_mem>>)
    %add3A_115 = arith.constant 64 : i32
    %add3A_116 = arith.addi %add3A_115, %add3A : i32
    %mul3A_117 = arith.constant 128 : i32
    %mul3A_118 = arith.muli %add3A_116, %mul3A_117 : i32
    %dma_wait3A_119 = arith.constant 0 : i32
    %dma_wait3A_120 = tpu.memref_slice %arg3[%dma_wait3A_119, %mul3A_118] : memref<2x320000xi32, #tpu.memory_space<hbm>> -> memref<1x128xi32, #tpu.memory_space<hbm>>
    %dma_wait3A_121 = tpu.memref_squeeze %dma_wait3A_120 : memref<1x128xi32, #tpu.memory_space<hbm>> -> memref<128xi32, #tpu.memory_space<hbm>>
    %dma_wait3A_122 = tpu.memref_slice %arg3[%dma_wait3A_119, %mul3A_118] : memref<2x320000xi32, #tpu.memory_space<hbm>> -> memref<1x128xi32, #tpu.memory_space<hbm>>
    %dma_wait3A_123 = tpu.memref_squeeze %dma_wait3A_122 : memref<1x128xi32, #tpu.memory_space<hbm>> -> memref<128xi32, #tpu.memory_space<hbm>>
    tpu.wait_dma2 semaphore(%arg27 : memref<!tpu.dma_semaphore, #tpu.memory_space<semaphore_mem>>) src(%dma_wait3A_123 : memref<128xi32, #tpu.memory_space<hbm>>) dst(%arg14 : memref<128xi32, #tpu.memory_space<vmem>>)
    %dma_wait3A_124 = tpu.memref_slice %arg4[%mul3A_118] : memref<320000xi32, #tpu.memory_space<hbm>> -> memref<128xi32, #tpu.memory_space<hbm>>
    %dma_wait3A_125 = tpu.memref_slice %arg4[%mul3A_118] : memref<320000xi32, #tpu.memory_space<hbm>> -> memref<128xi32, #tpu.memory_space<hbm>>
    tpu.wait_dma2 semaphore(%arg27 : memref<!tpu.dma_semaphore, #tpu.memory_space<semaphore_mem>>) src(%dma_wait3A_125 : memref<128xi32, #tpu.memory_space<hbm>>) dst(%arg8 : memref<128xi32, #tpu.memory_space<vmem>>)
    %dma_start3A_126 = arith.constant 0 : i32
    %dma_start3A_127 = arith.constant 0 : i32
    %dma_start3A_128 = tpu.memref_slice %arg2[%dma_start3A_126, %dma_start3A_127] : memref<10000x128xf32, #tpu.memory_space<hbm>> -> memref<10000x128xf32, #tpu.memory_space<hbm>>
    tpu.enqueue_indirect_dma source(%dma_start3A_128 : memref<10000x128xf32, #tpu.memory_space<hbm>>) target(%arg20 : memref<128x128xf32, #tpu.memory_space<vmem>>) offsets(%arg8 : memref<128xi32, #tpu.memory_space<vmem>>) semaphore(%arg24 : memref<!tpu.dma_semaphore, #tpu.memory_space<semaphore_mem>>)
    %scan3A_129 = arith.constant 0 : i32
    %scan3A_130 = arith.constant 0 : i32
    %scan3A_131 = arith.constant 13 : i32
    %scan3A_132 = arith.addi %scan3A_130, %scan3A_131 : i32
    %scan3A_133 = arith.constant 1 : i32
    %scan3A_134 = scf.for %scan3A_158 = %scan3A_130 to %scan3A_132 step %scan3A_133 iter_args(%scan3A_159 = %scan3A_129) -> (i32)  : i32 {
      %mul3A_160 = arith.constant 6 : i32
      %mul3A_161 = arith.muli %mul3A_160, %scan3A_158 : i32
      %add3A_162 = arith.constant 0 : i32
      %add3A_163 = arith.addi %mul3A_161, %add3A_162 : i32
      %dma_wait3A_164 = arith.constant 0 : i32
      %dma_wait3A_165 = arith.constant 0 : i32
      %dma_wait3A_166 = tpu.memref_slice %arg2[%dma_wait3A_164, %dma_wait3A_165] : memref<10000x128xf32, #tpu.memory_space<hbm>> -> memref<10000x128xf32, #tpu.memory_space<hbm>>
      tpu.wait_indirect_dma semaphore(%arg22 : memref<!tpu.dma_semaphore, #tpu.memory_space<semaphore_mem>>) src(%dma_wait3A_166 : memref<10000x128xf32, #tpu.memory_space<hbm>>) dst(%arg18 : memref<128x128xf32, #tpu.memory_space<vmem>>)
      "tpu.region"() ({
        %run_scoped3A = tpu.sem_alloc : memref<!tpu.dma_semaphore, #tpu.memory_space<semaphore_mem>>
        %dma_start3A_286 = arith.constant 0 : i32
        %dma_start3A_287 = arith.constant 0 : i32
        %dma_start3A_288 = tpu.memref_slice %arg21[%dma_start3A_286, %dma_start3A_287] : memref<10000x128xf32, #tpu.memory_space<vmem_shared>> -> memref<10000x128xf32, #tpu.memory_space<vmem_shared>>
        tpu.enqueue_indirect_dma source(%arg18 : memref<128x128xf32, #tpu.memory_space<vmem>>) target(%dma_start3A_288 : memref<10000x128xf32, #tpu.memory_space<vmem_shared>>) offsets(%arg12 : memref<128xi32, #tpu.memory_space<vmem>>) semaphore(%run_scoped3A : memref<!tpu.dma_semaphore, #tpu.memory_space<semaphore_mem>>) {add = true}
        %dma_wait3A_289 = arith.constant 0 : i32
        %dma_wait3A_290 = arith.constant 0 : i32
        %dma_wait3A_291 = tpu.memref_slice %arg21[%dma_wait3A_289, %dma_wait3A_290] : memref<10000x128xf32, #tpu.memory_space<vmem_shared>> -> memref<10000x128xf32, #tpu.memory_space<vmem_shared>>
        tpu.wait_indirect_dma semaphore(%run_scoped3A : memref<!tpu.dma_semaphore, #tpu.memory_space<semaphore_mem>>) src(%arg18 : memref<128x128xf32, #tpu.memory_space<vmem>>) dst(%dma_wait3A_291 : memref<10000x128xf32, #tpu.memory_space<vmem_shared>>)
        tpu.yield
      }) : () -> ()
      %add3A_167 = arith.constant 6 : i32
      %add3A_168 = arith.addi %add3A_163, %add3A_167 : i32
      %le3A = arith.constant 77 : i32
      %le3A_169 = arith.cmpi sle, %add3A_168, %le3A : i32
      %convert_element_type3A_170 = arith.extui %le3A_169 : i1 to i32
      %cond3A_171 = arith.constant 0 : i32
      %cond3A_172 = arith.cmpi ne, %convert_element_type3A_170, %cond3A_171 : i32
      scf.if %cond3A_172 {
        %add3A_286 = arith.constant 6 : i32
        %add3A_287 = arith.addi %add3A_163, %add3A_286 : i32
        %mul3A_288 = arith.constant 32 : i32
        %mul3A_289 = arith.muli %add3A_287, %mul3A_288 : i32
        %add3A_290 = arith.addi %mul3A_289, %add3A : i32
        %mul3A_291 = arith.constant 128 : i32
        %mul3A_292 = arith.muli %add3A_290, %mul3A_291 : i32
        %dma_start3A_293 = arith.constant 0 : i32
        %dma_start3A_294 = tpu.memref_slice %arg3[%dma_start3A_293, %mul3A_292] : memref<2x320000xi32, #tpu.memory_space<hbm>> -> memref<1x128xi32, #tpu.memory_space<hbm>>
        %dma_start3A_295 = tpu.memref_squeeze %dma_start3A_294 : memref<1x128xi32, #tpu.memory_space<hbm>> -> memref<128xi32, #tpu.memory_space<hbm>>
        %dma_start3A_296 = tpu.memref_slice %arg3[%dma_start3A_293, %mul3A_292] : memref<2x320000xi32, #tpu.memory_space<hbm>> -> memref<1x128xi32, #tpu.memory_space<hbm>>
        %dma_start3A_297 = tpu.memref_squeeze %dma_start3A_296 : memref<1x128xi32, #tpu.memory_space<hbm>> -> memref<128xi32, #tpu.memory_space<hbm>>
        tpu.enqueue_dma source(%dma_start3A_297 : memref<128xi32, #tpu.memory_space<hbm>>) target(%arg12 : memref<128xi32, #tpu.memory_space<vmem>>) target_semaphore(%arg25 : memref<!tpu.dma_semaphore, #tpu.memory_space<semaphore_mem>>)
        %dma_start3A_298 = tpu.memref_slice %arg4[%mul3A_292] : memref<320000xi32, #tpu.memory_space<hbm>> -> memref<128xi32, #tpu.memory_space<hbm>>
        %dma_start3A_299 = tpu.memref_slice %arg4[%mul3A_292] : memref<320000xi32, #tpu.memory_space<hbm>> -> memref<128xi32, #tpu.memory_space<hbm>>
        tpu.enqueue_dma source(%dma_start3A_299 : memref<128xi32, #tpu.memory_space<hbm>>) target(%arg6 : memref<128xi32, #tpu.memory_space<vmem>>) target_semaphore(%arg25 : memref<!tpu.dma_semaphore, #tpu.memory_space<semaphore_mem>>)
      } else {
      }
      %add3A_173 = arith.constant 3 : i32
      %add3A_174 = arith.addi %add3A_163, %add3A_173 : i32
      %le3A_175 = arith.constant 77 : i32
      %le3A_176 = arith.cmpi sle, %add3A_174, %le3A_175 : i32
      %convert_element_type3A_177 = arith.extui %le3A_176 : i1 to i32
      %cond3A_178 = arith.constant 0 : i32
      %cond3A_179 = arith.cmpi ne, %convert_element_type3A_177, %cond3A_178 : i32
      scf.if %cond3A_179 {
        %add3A_286 = arith.constant 3 : i32
        %add3A_287 = arith.addi %add3A_163, %add3A_286 : i32
        %mul3A_288 = arith.constant 32 : i32
        %mul3A_289 = arith.muli %add3A_287, %mul3A_288 : i32
        %add3A_290 = arith.addi %mul3A_289, %add3A : i32
        %mul3A_291 = arith.constant 128 : i32
        %mul3A_292 = arith.muli %add3A_290, %mul3A_291 : i32
        %dma_wait3A_293 = arith.constant 0 : i32
        %dma_wait3A_294 = tpu.memref_slice %arg3[%dma_wait3A_293, %mul3A_292] : memref<2x320000xi32, #tpu.memory_space<hbm>> -> memref<1x128xi32, #tpu.memory_space<hbm>>
        %dma_wait3A_295 = tpu.memref_squeeze %dma_wait3A_294 : memref<1x128xi32, #tpu.memory_space<hbm>> -> memref<128xi32, #tpu.memory_space<hbm>>
        %dma_wait3A_296 = tpu.memref_slice %arg3[%dma_wait3A_293, %mul3A_292] : memref<2x320000xi32, #tpu.memory_space<hbm>> -> memref<1x128xi32, #tpu.memory_space<hbm>>
        %dma_wait3A_297 = tpu.memref_squeeze %dma_wait3A_296 : memref<1x128xi32, #tpu.memory_space<hbm>> -> memref<128xi32, #tpu.memory_space<hbm>>
        tpu.wait_dma2 semaphore(%arg28 : memref<!tpu.dma_semaphore, #tpu.memory_space<semaphore_mem>>) src(%dma_wait3A_297 : memref<128xi32, #tpu.memory_space<hbm>>) dst(%arg15 : memref<128xi32, #tpu.memory_space<vmem>>)
        %dma_wait3A_298 = tpu.memref_slice %arg4[%mul3A_292] : memref<320000xi32, #tpu.memory_space<hbm>> -> memref<128xi32, #tpu.memory_space<hbm>>
        %dma_wait3A_299 = tpu.memref_slice %arg4[%mul3A_292] : memref<320000xi32, #tpu.memory_space<hbm>> -> memref<128xi32, #tpu.memory_space<hbm>>
        tpu.wait_dma2 semaphore(%arg28 : memref<!tpu.dma_semaphore, #tpu.memory_space<semaphore_mem>>) src(%dma_wait3A_299 : memref<128xi32, #tpu.memory_space<hbm>>) dst(%arg9 : memref<128xi32, #tpu.memory_space<vmem>>)
        %dma_start3A_300 = arith.constant 0 : i32
        %dma_start3A_301 = arith.constant 0 : i32
        %dma_start3A_302 = tpu.memref_slice %arg2[%dma_start3A_300, %dma_start3A_301] : memref<10000x128xf32, #tpu.memory_space<hbm>> -> memref<10000x128xf32, #tpu.memory_space<hbm>>
        tpu.enqueue_indirect_dma source(%dma_start3A_302 : memref<10000x128xf32, #tpu.memory_space<hbm>>) target(%arg18 : memref<128x128xf32, #tpu.memory_space<vmem>>) offsets(%arg9 : memref<128xi32, #tpu.memory_space<vmem>>) semaphore(%arg22 : memref<!tpu.dma_semaphore, #tpu.memory_space<semaphore_mem>>)
      } else {
      }
      %mul3A_180 = arith.constant 6 : i32
      %mul3A_181 = arith.muli %mul3A_180, %scan3A_158 : i32
      %add3A_182 = arith.constant 1 : i32
      %add3A_183 = arith.addi %mul3A_181, %add3A_182 : i32
      %dma_wait3A_184 = arith.constant 0 : i32
      %dma_wait3A_185 = arith.constant 0 : i32
      %dma_wait3A_186 = tpu.memref_slice %arg2[%dma_wait3A_184, %dma_wait3A_185] : memref<10000x128xf32, #tpu.memory_space<hbm>> -> memref<10000x128xf32, #tpu.memory_space<hbm>>
      tpu.wait_indirect_dma semaphore(%arg23 : memref<!tpu.dma_semaphore, #tpu.memory_space<semaphore_mem>>) src(%dma_wait3A_186 : memref<10000x128xf32, #tpu.memory_space<hbm>>) dst(%arg19 : memref<128x128xf32, #tpu.memory_space<vmem>>)
      "tpu.region"() ({
        %run_scoped3A = tpu.sem_alloc : memref<!tpu.dma_semaphore, #tpu.memory_space<semaphore_mem>>
        %dma_start3A_286 = arith.constant 0 : i32
        %dma_start3A_287 = arith.constant 0 : i32
        %dma_start3A_288 = tpu.memref_slice %arg21[%dma_start3A_286, %dma_start3A_287] : memref<10000x128xf32, #tpu.memory_space<vmem_shared>> -> memref<10000x128xf32, #tpu.memory_space<vmem_shared>>
        tpu.enqueue_indirect_dma source(%arg19 : memref<128x128xf32, #tpu.memory_space<vmem>>) target(%dma_start3A_288 : memref<10000x128xf32, #tpu.memory_space<vmem_shared>>) offsets(%arg13 : memref<128xi32, #tpu.memory_space<vmem>>) semaphore(%run_scoped3A : memref<!tpu.dma_semaphore, #tpu.memory_space<semaphore_mem>>) {add = true}
        %dma_wait3A_289 = arith.constant 0 : i32
        %dma_wait3A_290 = arith.constant 0 : i32
        %dma_wait3A_291 = tpu.memref_slice %arg21[%dma_wait3A_289, %dma_wait3A_290] : memref<10000x128xf32, #tpu.memory_space<vmem_shared>> -> memref<10000x128xf32, #tpu.memory_space<vmem_shared>>
        tpu.wait_indirect_dma semaphore(%run_scoped3A : memref<!tpu.dma_semaphore, #tpu.memory_space<semaphore_mem>>) src(%arg19 : memref<128x128xf32, #tpu.memory_space<vmem>>) dst(%dma_wait3A_291 : memref<10000x128xf32, #tpu.memory_space<vmem_shared>>)
        tpu.yield
      }) : () -> ()
      %add3A_187 = arith.constant 6 : i32
      %add3A_188 = arith.addi %add3A_183, %add3A_187 : i32
      %le3A_189 = arith.constant 77 : i32
      %le3A_190 = arith.cmpi sle, %add3A_188, %le3A_189 : i32
      %convert_element_type3A_191 = arith.extui %le3A_190 : i1 to i32
      %cond3A_192 = arith.constant 0 : i32
      %cond3A_193 = arith.cmpi ne, %convert_element_type3A_191, %cond3A_192 : i32
      scf.if %cond3A_193 {
        %add3A_286 = arith.constant 6 : i32
        %add3A_287 = arith.addi %add3A_183, %add3A_286 : i32
        %mul3A_288 = arith.constant 32 : i32
        %mul3A_289 = arith.muli %add3A_287, %mul3A_288 : i32
        %add3A_290 = arith.addi %mul3A_289, %add3A : i32
        %mul3A_291 = arith.constant 128 : i32
        %mul3A_292 = arith.muli %add3A_290, %mul3A_291 : i32
        %dma_start3A_293 = arith.constant 0 : i32
        %dma_start3A_294 = tpu.memref_slice %arg3[%dma_start3A_293, %mul3A_292] : memref<2x320000xi32, #tpu.memory_space<hbm>> -> memref<1x128xi32, #tpu.memory_space<hbm>>
        %dma_start3A_295 = tpu.memref_squeeze %dma_start3A_294 : memref<1x128xi32, #tpu.memory_space<hbm>> -> memref<128xi32, #tpu.memory_space<hbm>>
        %dma_start3A_296 = tpu.memref_slice %arg3[%dma_start3A_293, %mul3A_292] : memref<2x320000xi32, #tpu.memory_space<hbm>> -> memref<1x128xi32, #tpu.memory_space<hbm>>
        %dma_start3A_297 = tpu.memref_squeeze %dma_start3A_296 : memref<1x128xi32, #tpu.memory_space<hbm>> -> memref<128xi32, #tpu.memory_space<hbm>>
        tpu.enqueue_dma source(%dma_start3A_297 : memref<128xi32, #tpu.memory_space<hbm>>) target(%arg13 : memref<128xi32, #tpu.memory_space<vmem>>) target_semaphore(%arg26 : memref<!tpu.dma_semaphore, #tpu.memory_space<semaphore_mem>>)
        %dma_start3A_298 = tpu.memref_slice %arg4[%mul3A_292] : memref<320000xi32, #tpu.memory_space<hbm>> -> memref<128xi32, #tpu.memory_space<hbm>>
        %dma_start3A_299 = tpu.memref_slice %arg4[%mul3A_292] : memref<320000xi32, #tpu.memory_space<hbm>> -> memref<128xi32, #tpu.memory_space<hbm>>
        tpu.enqueue_dma source(%dma_start3A_299 : memref<128xi32, #tpu.memory_space<hbm>>) target(%arg7 : memref<128xi32, #tpu.memory_space<vmem>>) target_semaphore(%arg26 : memref<!tpu.dma_semaphore, #tpu.memory_space<semaphore_mem>>)
      } else {
      }
      %add3A_194 = arith.constant 3 : i32
      %add3A_195 = arith.addi %add3A_183, %add3A_194 : i32
      %le3A_196 = arith.constant 77 : i32
      %le3A_197 = arith.cmpi sle, %add3A_195, %le3A_196 : i32
      %convert_element_type3A_198 = arith.extui %le3A_197 : i1 to i32
      %cond3A_199 = arith.constant 0 : i32
      %cond3A_200 = arith.cmpi ne, %convert_element_type3A_198, %cond3A_199 : i32
      scf.if %cond3A_200 {
        %add3A_286 = arith.constant 3 : i32
        %add3A_287 = arith.addi %add3A_183, %add3A_286 : i32
        %mul3A_288 = arith.constant 32 : i32
        %mul3A_289 = arith.muli %add3A_287, %mul3A_288 : i32
        %add3A_290 = arith.addi %mul3A_289, %add3A : i32
        %mul3A_291 = arith.constant 128 : i32
        %mul3A_292 = arith.muli %add3A_290, %mul3A_291 : i32
        %dma_wait3A_293 = arith.constant 0 : i32
        %dma_wait3A_294 = tpu.memref_slice %arg3[%dma_wait3A_293, %mul3A_292] : memref<2x320000xi32, #tpu.memory_space<hbm>> -> memref<1x128xi32, #tpu.memory_space<hbm>>
        %dma_wait3A_295 = tpu.memref_squeeze %dma_wait3A_294 : memref<1x128xi32, #tpu.memory_space<hbm>> -> memref<128xi32, #tpu.memory_space<hbm>>
        %dma_wait3A_296 = tpu.memref_slice %arg3[%dma_wait3A_293, %mul3A_292] : memref<2x320000xi32, #tpu.memory_space<hbm>> -> memref<1x128xi32, #tpu.memory_space<hbm>>
        %dma_wait3A_297 = tpu.memref_squeeze %dma_wait3A_296 : memref<1x128xi32, #tpu.memory_space<hbm>> -> memref<128xi32, #tpu.memory_space<hbm>>
        tpu.wait_dma2 semaphore(%arg29 : memref<!tpu.dma_semaphore, #tpu.memory_space<semaphore_mem>>) src(%dma_wait3A_297 : memref<128xi32, #tpu.memory_space<hbm>>) dst(%arg16 : memref<128xi32, #tpu.memory_space<vmem>>)
        %dma_wait3A_298 = tpu.memref_slice %arg4[%mul3A_292] : memref<320000xi32, #tpu.memory_space<hbm>> -> memref<128xi32, #tpu.memory_space<hbm>>
        %dma_wait3A_299 = tpu.memref_slice %arg4[%mul3A_292] : memref<320000xi32, #tpu.memory_space<hbm>> -> memref<128xi32, #tpu.memory_space<hbm>>
        tpu.wait_dma2 semaphore(%arg29 : memref<!tpu.dma_semaphore, #tpu.memory_space<semaphore_mem>>) src(%dma_wait3A_299 : memref<128xi32, #tpu.memory_space<hbm>>) dst(%arg10 : memref<128xi32, #tpu.memory_space<vmem>>)
        %dma_start3A_300 = arith.constant 0 : i32
        %dma_start3A_301 = arith.constant 0 : i32
        %dma_start3A_302 = tpu.memref_slice %arg2[%dma_start3A_300, %dma_start3A_301] : memref<10000x128xf32, #tpu.memory_space<hbm>> -> memref<10000x128xf32, #tpu.memory_space<hbm>>
        tpu.enqueue_indirect_dma source(%dma_start3A_302 : memref<10000x128xf32, #tpu.memory_space<hbm>>) target(%arg19 : memref<128x128xf32, #tpu.memory_space<vmem>>) offsets(%arg10 : memref<128xi32, #tpu.memory_space<vmem>>) semaphore(%arg23 : memref<!tpu.dma_semaphore, #tpu.memory_space<semaphore_mem>>)
      } else {
      }
      %mul3A_201 = arith.constant 6 : i32
      %mul3A_202 = arith.muli %mul3A_201, %scan3A_158 : i32
      %add3A_203 = arith.constant 2 : i32
      %add3A_204 = arith.addi %mul3A_202, %add3A_203 : i32
      %dma_wait3A_205 = arith.constant 0 : i32
      %dma_wait3A_206 = arith.constant 0 : i32
      %dma_wait3A_207 = tpu.memref_slice %arg2[%dma_wait3A_205, %dma_wait3A_206] : memref<10000x128xf32, #tpu.memory_space<hbm>> -> memref<10000x128xf32, #tpu.memory_space<hbm>>
      tpu.wait_indirect_dma semaphore(%arg24 : memref<!tpu.dma_semaphore, #tpu.memory_space<semaphore_mem>>) src(%dma_wait3A_207 : memref<10000x128xf32, #tpu.memory_space<hbm>>) dst(%arg20 : memref<128x128xf32, #tpu.memory_space<vmem>>)
      "tpu.region"() ({
        %run_scoped3A = tpu.sem_alloc : memref<!tpu.dma_semaphore, #tpu.memory_space<semaphore_mem>>
        %dma_start3A_286 = arith.constant 0 : i32
        %dma_start3A_287 = arith.constant 0 : i32
        %dma_start3A_288 = tpu.memref_slice %arg21[%dma_start3A_286, %dma_start3A_287] : memref<10000x128xf32, #tpu.memory_space<vmem_shared>> -> memref<10000x128xf32, #tpu.memory_space<vmem_shared>>
        tpu.enqueue_indirect_dma source(%arg20 : memref<128x128xf32, #tpu.memory_space<vmem>>) target(%dma_start3A_288 : memref<10000x128xf32, #tpu.memory_space<vmem_shared>>) offsets(%arg14 : memref<128xi32, #tpu.memory_space<vmem>>) semaphore(%run_scoped3A : memref<!tpu.dma_semaphore, #tpu.memory_space<semaphore_mem>>) {add = true}
        %dma_wait3A_289 = arith.constant 0 : i32
        %dma_wait3A_290 = arith.constant 0 : i32
        %dma_wait3A_291 = tpu.memref_slice %arg21[%dma_wait3A_289, %dma_wait3A_290] : memref<10000x128xf32, #tpu.memory_space<vmem_shared>> -> memref<10000x128xf32, #tpu.memory_space<vmem_shared>>
        tpu.wait_indirect_dma semaphore(%run_scoped3A : memref<!tpu.dma_semaphore, #tpu.memory_space<semaphore_mem>>) src(%arg20 : memref<128x128xf32, #tpu.memory_space<vmem>>) dst(%dma_wait3A_291 : memref<10000x128xf32, #tpu.memory_space<vmem_shared>>)
        tpu.yield
      }) : () -> ()
      %add3A_208 = arith.constant 6 : i32
      %add3A_209 = arith.addi %add3A_204, %add3A_208 : i32
      %le3A_210 = arith.constant 77 : i32
      %le3A_211 = arith.cmpi sle, %add3A_209, %le3A_210 : i32
      %convert_element_type3A_212 = arith.extui %le3A_211 : i1 to i32
      %cond3A_213 = arith.constant 0 : i32
      %cond3A_214 = arith.cmpi ne, %convert_element_type3A_212, %cond3A_213 : i32
      scf.if %cond3A_214 {
        %add3A_286 = arith.constant 6 : i32
        %add3A_287 = arith.addi %add3A_204, %add3A_286 : i32
        %mul3A_288 = arith.constant 32 : i32
        %mul3A_289 = arith.muli %add3A_287, %mul3A_288 : i32
        %add3A_290 = arith.addi %mul3A_289, %add3A : i32
        %mul3A_291 = arith.constant 128 : i32
        %mul3A_292 = arith.muli %add3A_290, %mul3A_291 : i32
        %dma_start3A_293 = arith.constant 0 : i32
        %dma_start3A_294 = tpu.memref_slice %arg3[%dma_start3A_293, %mul3A_292] : memref<2x320000xi32, #tpu.memory_space<hbm>> -> memref<1x128xi32, #tpu.memory_space<hbm>>
        %dma_start3A_295 = tpu.memref_squeeze %dma_start3A_294 : memref<1x128xi32, #tpu.memory_space<hbm>> -> memref<128xi32, #tpu.memory_space<hbm>>
        %dma_start3A_296 = tpu.memref_slice %arg3[%dma_start3A_293, %mul3A_292] : memref<2x320000xi32, #tpu.memory_space<hbm>> -> memref<1x128xi32, #tpu.memory_space<hbm>>
        %dma_start3A_297 = tpu.memref_squeeze %dma_start3A_296 : memref<1x128xi32, #tpu.memory_space<hbm>> -> memref<128xi32, #tpu.memory_space<hbm>>
        tpu.enqueue_dma source(%dma_start3A_297 : memref<128xi32, #tpu.memory_space<hbm>>) target(%arg14 : memref<128xi32, #tpu.memory_space<vmem>>) target_semaphore(%arg27 : memref<!tpu.dma_semaphore, #tpu.memory_space<semaphore_mem>>)
        %dma_start3A_298 = tpu.memref_slice %arg4[%mul3A_292] : memref<320000xi32, #tpu.memory_space<hbm>> -> memref<128xi32, #tpu.memory_space<hbm>>
        %dma_start3A_299 = tpu.memref_slice %arg4[%mul3A_292] : memref<320000xi32, #tpu.memory_space<hbm>> -> memref<128xi32, #tpu.memory_space<hbm>>
        tpu.enqueue_dma source(%dma_start3A_299 : memref<128xi32, #tpu.memory_space<hbm>>) target(%arg8 : memref<128xi32, #tpu.memory_space<vmem>>) target_semaphore(%arg27 : memref<!tpu.dma_semaphore, #tpu.memory_space<semaphore_mem>>)
      } else {
      }
      %add3A_215 = arith.constant 3 : i32
      %add3A_216 = arith.addi %add3A_204, %add3A_215 : i32
      %le3A_217 = arith.constant 77 : i32
      %le3A_218 = arith.cmpi sle, %add3A_216, %le3A_217 : i32
      %convert_element_type3A_219 = arith.extui %le3A_218 : i1 to i32
      %cond3A_220 = arith.constant 0 : i32
      %cond3A_221 = arith.cmpi ne, %convert_element_type3A_219, %cond3A_220 : i32
      scf.if %cond3A_221 {
        %add3A_286 = arith.constant 3 : i32
        %add3A_287 = arith.addi %add3A_204, %add3A_286 : i32
        %mul3A_288 = arith.constant 32 : i32
        %mul3A_289 = arith.muli %add3A_287, %mul3A_288 : i32
        %add3A_290 = arith.addi %mul3A_289, %add3A : i32
        %mul3A_291 = arith.constant 128 : i32
        %mul3A_292 = arith.muli %add3A_290, %mul3A_291 : i32
        %dma_wait3A_293 = arith.constant 0 : i32
        %dma_wait3A_294 = tpu.memref_slice %arg3[%dma_wait3A_293, %mul3A_292] : memref<2x320000xi32, #tpu.memory_space<hbm>> -> memref<1x128xi32, #tpu.memory_space<hbm>>
        %dma_wait3A_295 = tpu.memref_squeeze %dma_wait3A_294 : memref<1x128xi32, #tpu.memory_space<hbm>> -> memref<128xi32, #tpu.memory_space<hbm>>
        %dma_wait3A_296 = tpu.memref_slice %arg3[%dma_wait3A_293, %mul3A_292] : memref<2x320000xi32, #tpu.memory_space<hbm>> -> memref<1x128xi32, #tpu.memory_space<hbm>>
        %dma_wait3A_297 = tpu.memref_squeeze %dma_wait3A_296 : memref<1x128xi32, #tpu.memory_space<hbm>> -> memref<128xi32, #tpu.memory_space<hbm>>
        tpu.wait_dma2 semaphore(%arg30 : memref<!tpu.dma_semaphore, #tpu.memory_space<semaphore_mem>>) src(%dma_wait3A_297 : memref<128xi32, #tpu.memory_space<hbm>>) dst(%arg17 : memref<128xi32, #tpu.memory_space<vmem>>)
        %dma_wait3A_298 = tpu.memref_slice %arg4[%mul3A_292] : memref<320000xi32, #tpu.memory_space<hbm>> -> memref<128xi32, #tpu.memory_space<hbm>>
        %dma_wait3A_299 = tpu.memref_slice %arg4[%mul3A_292] : memref<320000xi32, #tpu.memory_space<hbm>> -> memref<128xi32, #tpu.memory_space<hbm>>
        tpu.wait_dma2 semaphore(%arg30 : memref<!tpu.dma_semaphore, #tpu.memory_space<semaphore_mem>>) src(%dma_wait3A_299 : memref<128xi32, #tpu.memory_space<hbm>>) dst(%arg11 : memref<128xi32, #tpu.memory_space<vmem>>)
        %dma_start3A_300 = arith.constant 0 : i32
        %dma_start3A_301 = arith.constant 0 : i32
        %dma_start3A_302 = tpu.memref_slice %arg2[%dma_start3A_300, %dma_start3A_301] : memref<10000x128xf32, #tpu.memory_space<hbm>> -> memref<10000x128xf32, #tpu.memory_space<hbm>>
        tpu.enqueue_indirect_dma source(%dma_start3A_302 : memref<10000x128xf32, #tpu.memory_space<hbm>>) target(%arg20 : memref<128x128xf32, #tpu.memory_space<vmem>>) offsets(%arg11 : memref<128xi32, #tpu.memory_space<vmem>>) semaphore(%arg24 : memref<!tpu.dma_semaphore, #tpu.memory_space<semaphore_mem>>)
      } else {
      }
      %mul3A_222 = arith.constant 6 : i32
      %mul3A_223 = arith.muli %mul3A_222, %scan3A_158 : i32
      %add3A_224 = arith.constant 3 : i32
      %add3A_225 = arith.addi %mul3A_223, %add3A_224 : i32
      %dma_wait3A_226 = arith.constant 0 : i32
      %dma_wait3A_227 = arith.constant 0 : i32
      %dma_wait3A_228 = tpu.memref_slice %arg2[%dma_wait3A_226, %dma_wait3A_227] : memref<10000x128xf32, #tpu.memory_space<hbm>> -> memref<10000x128xf32, #tpu.memory_space<hbm>>
      tpu.wait_indirect_dma semaphore(%arg22 : memref<!tpu.dma_semaphore, #tpu.memory_space<semaphore_mem>>) src(%dma_wait3A_228 : memref<10000x128xf32, #tpu.memory_space<hbm>>) dst(%arg18 : memref<128x128xf32, #tpu.memory_space<vmem>>)
      "tpu.region"() ({
        %run_scoped3A = tpu.sem_alloc : memref<!tpu.dma_semaphore, #tpu.memory_space<semaphore_mem>>
        %dma_start3A_286 = arith.constant 0 : i32
        %dma_start3A_287 = arith.constant 0 : i32
        %dma_start3A_288 = tpu.memref_slice %arg21[%dma_start3A_286, %dma_start3A_287] : memref<10000x128xf32, #tpu.memory_space<vmem_shared>> -> memref<10000x128xf32, #tpu.memory_space<vmem_shared>>
        tpu.enqueue_indirect_dma source(%arg18 : memref<128x128xf32, #tpu.memory_space<vmem>>) target(%dma_start3A_288 : memref<10000x128xf32, #tpu.memory_space<vmem_shared>>) offsets(%arg15 : memref<128xi32, #tpu.memory_space<vmem>>) semaphore(%run_scoped3A : memref<!tpu.dma_semaphore, #tpu.memory_space<semaphore_mem>>) {add = true}
        %dma_wait3A_289 = arith.constant 0 : i32
        %dma_wait3A_290 = arith.constant 0 : i32
        %dma_wait3A_291 = tpu.memref_slice %arg21[%dma_wait3A_289, %dma_wait3A_290] : memref<10000x128xf32, #tpu.memory_space<vmem_shared>> -> memref<10000x128xf32, #tpu.memory_space<vmem_shared>>
        tpu.wait_indirect_dma semaphore(%run_scoped3A : memref<!tpu.dma_semaphore, #tpu.memory_space<semaphore_mem>>) src(%arg18 : memref<128x128xf32, #tpu.memory_space<vmem>>) dst(%dma_wait3A_291 : memref<10000x128xf32, #tpu.memory_space<vmem_shared>>)
        tpu.yield
      }) : () -> ()
      %add3A_229 = arith.constant 6 : i32
      %add3A_230 = arith.addi %add3A_225, %add3A_229 : i32
      %le3A_231 = arith.constant 77 : i32
      %le3A_232 = arith.cmpi sle, %add3A_230, %le3A_231 : i32
      %convert_element_type3A_233 = arith.extui %le3A_232 : i1 to i32
      %cond3A_234 = arith.constant 0 : i32
      %cond3A_235 = arith.cmpi ne, %convert_element_type3A_233, %cond3A_234 : i32
      scf.if %cond3A_235 {
        %add3A_286 = arith.constant 6 : i32
        %add3A_287 = arith.addi %add3A_225, %add3A_286 : i32
        %mul3A_288 = arith.constant 32 : i32
        %mul3A_289 = arith.muli %add3A_287, %mul3A_288 : i32
        %add3A_290 = arith.addi %mul3A_289, %add3A : i32
        %mul3A_291 = arith.constant 128 : i32
        %mul3A_292 = arith.muli %add3A_290, %mul3A_291 : i32
        %dma_start3A_293 = arith.constant 0 : i32
        %dma_start3A_294 = tpu.memref_slice %arg3[%dma_start3A_293, %mul3A_292] : memref<2x320000xi32, #tpu.memory_space<hbm>> -> memref<1x128xi32, #tpu.memory_space<hbm>>
        %dma_start3A_295 = tpu.memref_squeeze %dma_start3A_294 : memref<1x128xi32, #tpu.memory_space<hbm>> -> memref<128xi32, #tpu.memory_space<hbm>>
        %dma_start3A_296 = tpu.memref_slice %arg3[%dma_start3A_293, %mul3A_292] : memref<2x320000xi32, #tpu.memory_space<hbm>> -> memref<1x128xi32, #tpu.memory_space<hbm>>
        %dma_start3A_297 = tpu.memref_squeeze %dma_start3A_296 : memref<1x128xi32, #tpu.memory_space<hbm>> -> memref<128xi32, #tpu.memory_space<hbm>>
        tpu.enqueue_dma source(%dma_start3A_297 : memref<128xi32, #tpu.memory_space<hbm>>) target(%arg15 : memref<128xi32, #tpu.memory_space<vmem>>) target_semaphore(%arg28 : memref<!tpu.dma_semaphore, #tpu.memory_space<semaphore_mem>>)
        %dma_start3A_298 = tpu.memref_slice %arg4[%mul3A_292] : memref<320000xi32, #tpu.memory_space<hbm>> -> memref<128xi32, #tpu.memory_space<hbm>>
        %dma_start3A_299 = tpu.memref_slice %arg4[%mul3A_292] : memref<320000xi32, #tpu.memory_space<hbm>> -> memref<128xi32, #tpu.memory_space<hbm>>
        tpu.enqueue_dma source(%dma_start3A_299 : memref<128xi32, #tpu.memory_space<hbm>>) target(%arg9 : memref<128xi32, #tpu.memory_space<vmem>>) target_semaphore(%arg28 : memref<!tpu.dma_semaphore, #tpu.memory_space<semaphore_mem>>)
      } else {
      }
      %add3A_236 = arith.constant 3 : i32
      %add3A_237 = arith.addi %add3A_225, %add3A_236 : i32
      %le3A_238 = arith.constant 77 : i32
      %le3A_239 = arith.cmpi sle, %add3A_237, %le3A_238 : i32
      %convert_element_type3A_240 = arith.extui %le3A_239 : i1 to i32
      %cond3A_241 = arith.constant 0 : i32
      %cond3A_242 = arith.cmpi ne, %convert_element_type3A_240, %cond3A_241 : i32
      scf.if %cond3A_242 {
        %add3A_286 = arith.constant 3 : i32
        %add3A_287 = arith.addi %add3A_225, %add3A_286 : i32
        %mul3A_288 = arith.constant 32 : i32
        %mul3A_289 = arith.muli %add3A_287, %mul3A_288 : i32
        %add3A_290 = arith.addi %mul3A_289, %add3A : i32
        %mul3A_291 = arith.constant 128 : i32
        %mul3A_292 = arith.muli %add3A_290, %mul3A_291 : i32
        %dma_wait3A_293 = arith.constant 0 : i32
        %dma_wait3A_294 = tpu.memref_slice %arg3[%dma_wait3A_293, %mul3A_292] : memref<2x320000xi32, #tpu.memory_space<hbm>> -> memref<1x128xi32, #tpu.memory_space<hbm>>
        %dma_wait3A_295 = tpu.memref_squeeze %dma_wait3A_294 : memref<1x128xi32, #tpu.memory_space<hbm>> -> memref<128xi32, #tpu.memory_space<hbm>>
        %dma_wait3A_296 = tpu.memref_slice %arg3[%dma_wait3A_293, %mul3A_292] : memref<2x320000xi32, #tpu.memory_space<hbm>> -> memref<1x128xi32, #tpu.memory_space<hbm>>
        %dma_wait3A_297 = tpu.memref_squeeze %dma_wait3A_296 : memref<1x128xi32, #tpu.memory_space<hbm>> -> memref<128xi32, #tpu.memory_space<hbm>>
        tpu.wait_dma2 semaphore(%arg25 : memref<!tpu.dma_semaphore, #tpu.memory_space<semaphore_mem>>) src(%dma_wait3A_297 : memref<128xi32, #tpu.memory_space<hbm>>) dst(%arg12 : memref<128xi32, #tpu.memory_space<vmem>>)
        %dma_wait3A_298 = tpu.memref_slice %arg4[%mul3A_292] : memref<320000xi32, #tpu.memory_space<hbm>> -> memref<128xi32, #tpu.memory_space<hbm>>
        %dma_wait3A_299 = tpu.memref_slice %arg4[%mul3A_292] : memref<320000xi32, #tpu.memory_space<hbm>> -> memref<128xi32, #tpu.memory_space<hbm>>
        tpu.wait_dma2 semaphore(%arg25 : memref<!tpu.dma_semaphore, #tpu.memory_space<semaphore_mem>>) src(%dma_wait3A_299 : memref<128xi32, #tpu.memory_space<hbm>>) dst(%arg6 : memref<128xi32, #tpu.memory_space<vmem>>)
        %dma_start3A_300 = arith.constant 0 : i32
        %dma_start3A_301 = arith.constant 0 : i32
        %dma_start3A_302 = tpu.memref_slice %arg2[%dma_start3A_300, %dma_start3A_301] : memref<10000x128xf32, #tpu.memory_space<hbm>> -> memref<10000x128xf32, #tpu.memory_space<hbm>>
        tpu.enqueue_indirect_dma source(%dma_start3A_302 : memref<10000x128xf32, #tpu.memory_space<hbm>>) target(%arg18 : memref<128x128xf32, #tpu.memory_space<vmem>>) offsets(%arg6 : memref<128xi32, #tpu.memory_space<vmem>>) semaphore(%arg22 : memref<!tpu.dma_semaphore, #tpu.memory_space<semaphore_mem>>)
      } else {
      }
      %mul3A_243 = arith.constant 6 : i32
      %mul3A_244 = arith.muli %mul3A_243, %scan3A_158 : i32
      %add3A_245 = arith.constant 4 : i32
      %add3A_246 = arith.addi %mul3A_244, %add3A_245 : i32
      %dma_wait3A_247 = arith.constant 0 : i32
      %dma_wait3A_248 = arith.constant 0 : i32
      %dma_wait3A_249 = tpu.memref_slice %arg2[%dma_wait3A_247, %dma_wait3A_248] : memref<10000x128xf32, #tpu.memory_space<hbm>> -> memref<10000x128xf32, #tpu.memory_space<hbm>>
      tpu.wait_indirect_dma semaphore(%arg23 : memref<!tpu.dma_semaphore, #tpu.memory_space<semaphore_mem>>) src(%dma_wait3A_249 : memref<10000x128xf32, #tpu.memory_space<hbm>>) dst(%arg19 : memref<128x128xf32, #tpu.memory_space<vmem>>)
      "tpu.region"() ({
        %run_scoped3A = tpu.sem_alloc : memref<!tpu.dma_semaphore, #tpu.memory_space<semaphore_mem>>
        %dma_start3A_286 = arith.constant 0 : i32
        %dma_start3A_287 = arith.constant 0 : i32
        %dma_start3A_288 = tpu.memref_slice %arg21[%dma_start3A_286, %dma_start3A_287] : memref<10000x128xf32, #tpu.memory_space<vmem_shared>> -> memref<10000x128xf32, #tpu.memory_space<vmem_shared>>
        tpu.enqueue_indirect_dma source(%arg19 : memref<128x128xf32, #tpu.memory_space<vmem>>) target(%dma_start3A_288 : memref<10000x128xf32, #tpu.memory_space<vmem_shared>>) offsets(%arg16 : memref<128xi32, #tpu.memory_space<vmem>>) semaphore(%run_scoped3A : memref<!tpu.dma_semaphore, #tpu.memory_space<semaphore_mem>>) {add = true}
        %dma_wait3A_289 = arith.constant 0 : i32
        %dma_wait3A_290 = arith.constant 0 : i32
        %dma_wait3A_291 = tpu.memref_slice %arg21[%dma_wait3A_289, %dma_wait3A_290] : memref<10000x128xf32, #tpu.memory_space<vmem_shared>> -> memref<10000x128xf32, #tpu.memory_space<vmem_shared>>
        tpu.wait_indirect_dma semaphore(%run_scoped3A : memref<!tpu.dma_semaphore, #tpu.memory_space<semaphore_mem>>) src(%arg19 : memref<128x128xf32, #tpu.memory_space<vmem>>) dst(%dma_wait3A_291 : memref<10000x128xf32, #tpu.memory_space<vmem_shared>>)
        tpu.yield
      }) : () -> ()
      %add3A_250 = arith.constant 6 : i32
      %add3A_251 = arith.addi %add3A_246, %add3A_250 : i32
      %le3A_252 = arith.constant 77 : i32
      %le3A_253 = arith.cmpi sle, %add3A_251, %le3A_252 : i32
      %convert_element_type3A_254 = arith.extui %le3A_253 : i1 to i32
      %cond3A_255 = arith.constant 0 : i32
      %cond3A_256 = arith.cmpi ne, %convert_element_type3A_254, %cond3A_255 : i32
      scf.if %cond3A_256 {
        %add3A_286 = arith.constant 6 : i32
        %add3A_287 = arith.addi %add3A_246, %add3A_286 : i32
        %mul3A_288 = arith.constant 32 : i32
        %mul3A_289 = arith.muli %add3A_287, %mul3A_288 : i32
        %add3A_290 = arith.addi %mul3A_289, %add3A : i32
        %mul3A_291 = arith.constant 128 : i32
        %mul3A_292 = arith.muli %add3A_290, %mul3A_291 : i32
        %dma_start3A_293 = arith.constant 0 : i32
        %dma_start3A_294 = tpu.memref_slice %arg3[%dma_start3A_293, %mul3A_292] : memref<2x320000xi32, #tpu.memory_space<hbm>> -> memref<1x128xi32, #tpu.memory_space<hbm>>
        %dma_start3A_295 = tpu.memref_squeeze %dma_start3A_294 : memref<1x128xi32, #tpu.memory_space<hbm>> -> memref<128xi32, #tpu.memory_space<hbm>>
        %dma_start3A_296 = tpu.memref_slice %arg3[%dma_start3A_293, %mul3A_292] : memref<2x320000xi32, #tpu.memory_space<hbm>> -> memref<1x128xi32, #tpu.memory_space<hbm>>
        %dma_start3A_297 = tpu.memref_squeeze %dma_start3A_296 : memref<1x128xi32, #tpu.memory_space<hbm>> -> memref<128xi32, #tpu.memory_space<hbm>>
        tpu.enqueue_dma source(%dma_start3A_297 : memref<128xi32, #tpu.memory_space<hbm>>) target(%arg16 : memref<128xi32, #tpu.memory_space<vmem>>) target_semaphore(%arg29 : memref<!tpu.dma_semaphore, #tpu.memory_space<semaphore_mem>>)
        %dma_start3A_298 = tpu.memref_slice %arg4[%mul3A_292] : memref<320000xi32, #tpu.memory_space<hbm>> -> memref<128xi32, #tpu.memory_space<hbm>>
        %dma_start3A_299 = tpu.memref_slice %arg4[%mul3A_292] : memref<320000xi32, #tpu.memory_space<hbm>> -> memref<128xi32, #tpu.memory_space<hbm>>
        tpu.enqueue_dma source(%dma_start3A_299 : memref<128xi32, #tpu.memory_space<hbm>>) target(%arg10 : memref<128xi32, #tpu.memory_space<vmem>>) target_semaphore(%arg29 : memref<!tpu.dma_semaphore, #tpu.memory_space<semaphore_mem>>)
      } else {
      }
      %add3A_257 = arith.constant 3 : i32
      %add3A_258 = arith.addi %add3A_246, %add3A_257 : i32
      %le3A_259 = arith.constant 77 : i32
      %le3A_260 = arith.cmpi sle, %add3A_258, %le3A_259 : i32
      %convert_element_type3A_261 = arith.extui %le3A_260 : i1 to i32
      %cond3A_262 = arith.constant 0 : i32
      %cond3A_263 = arith.cmpi ne, %convert_element_type3A_261, %cond3A_262 : i32
      scf.if %cond3A_263 {
        %add3A_286 = arith.constant 3 : i32
        %add3A_287 = arith.addi %add3A_246, %add3A_286 : i32
        %mul3A_288 = arith.constant 32 : i32
        %mul3A_289 = arith.muli %add3A_287, %mul3A_288 : i32
        %add3A_290 = arith.addi %mul3A_289, %add3A : i32
        %mul3A_291 = arith.constant 128 : i32
        %mul3A_292 = arith.muli %add3A_290, %mul3A_291 : i32
        %dma_wait3A_293 = arith.constant 0 : i32
        %dma_wait3A_294 = tpu.memref_slice %arg3[%dma_wait3A_293, %mul3A_292] : memref<2x320000xi32, #tpu.memory_space<hbm>> -> memref<1x128xi32, #tpu.memory_space<hbm>>
        %dma_wait3A_295 = tpu.memref_squeeze %dma_wait3A_294 : memref<1x128xi32, #tpu.memory_space<hbm>> -> memref<128xi32, #tpu.memory_space<hbm>>
        %dma_wait3A_296 = tpu.memref_slice %arg3[%dma_wait3A_293, %mul3A_292] : memref<2x320000xi32, #tpu.memory_space<hbm>> -> memref<1x128xi32, #tpu.memory_space<hbm>>
        %dma_wait3A_297 = tpu.memref_squeeze %dma_wait3A_296 : memref<1x128xi32, #tpu.memory_space<hbm>> -> memref<128xi32, #tpu.memory_space<hbm>>
        tpu.wait_dma2 semaphore(%arg26 : memref<!tpu.dma_semaphore, #tpu.memory_space<semaphore_mem>>) src(%dma_wait3A_297 : memref<128xi32, #tpu.memory_space<hbm>>) dst(%arg13 : memref<128xi32, #tpu.memory_space<vmem>>)
        %dma_wait3A_298 = tpu.memref_slice %arg4[%mul3A_292] : memref<320000xi32, #tpu.memory_space<hbm>> -> memref<128xi32, #tpu.memory_space<hbm>>
        %dma_wait3A_299 = tpu.memref_slice %arg4[%mul3A_292] : memref<320000xi32, #tpu.memory_space<hbm>> -> memref<128xi32, #tpu.memory_space<hbm>>
        tpu.wait_dma2 semaphore(%arg26 : memref<!tpu.dma_semaphore, #tpu.memory_space<semaphore_mem>>) src(%dma_wait3A_299 : memref<128xi32, #tpu.memory_space<hbm>>) dst(%arg7 : memref<128xi32, #tpu.memory_space<vmem>>)
        %dma_start3A_300 = arith.constant 0 : i32
        %dma_start3A_301 = arith.constant 0 : i32
        %dma_start3A_302 = tpu.memref_slice %arg2[%dma_start3A_300, %dma_start3A_301] : memref<10000x128xf32, #tpu.memory_space<hbm>> -> memref<10000x128xf32, #tpu.memory_space<hbm>>
        tpu.enqueue_indirect_dma source(%dma_start3A_302 : memref<10000x128xf32, #tpu.memory_space<hbm>>) target(%arg19 : memref<128x128xf32, #tpu.memory_space<vmem>>) offsets(%arg7 : memref<128xi32, #tpu.memory_space<vmem>>) semaphore(%arg23 : memref<!tpu.dma_semaphore, #tpu.memory_space<semaphore_mem>>)
      } else {
      }
      %mul3A_264 = arith.constant 6 : i32
      %mul3A_265 = arith.muli %mul3A_264, %scan3A_158 : i32
      %add3A_266 = arith.constant 5 : i32
      %add3A_267 = arith.addi %mul3A_265, %add3A_266 : i32
      %dma_wait3A_268 = arith.constant 0 : i32
      %dma_wait3A_269 = arith.constant 0 : i32
      %dma_wait3A_270 = tpu.memref_slice %arg2[%dma_wait3A_268, %dma_wait3A_269] : memref<10000x128xf32, #tpu.memory_space<hbm>> -> memref<10000x128xf32, #tpu.memory_space<hbm>>
      tpu.wait_indirect_dma semaphore(%arg24 : memref<!tpu.dma_semaphore, #tpu.memory_space<semaphore_mem>>) src(%dma_wait3A_270 : memref<10000x128xf32, #tpu.memory_space<hbm>>) dst(%arg20 : memref<128x128xf32, #tpu.memory_space<vmem>>)
      "tpu.region"() ({
        %run_scoped3A = tpu.sem_alloc : memref<!tpu.dma_semaphore, #tpu.memory_space<semaphore_mem>>
        %dma_start3A_286 = arith.constant 0 : i32
        %dma_start3A_287 = arith.constant 0 : i32
        %dma_start3A_288 = tpu.memref_slice %arg21[%dma_start3A_286, %dma_start3A_287] : memref<10000x128xf32, #tpu.memory_space<vmem_shared>> -> memref<10000x128xf32, #tpu.memory_space<vmem_shared>>
        tpu.enqueue_indirect_dma source(%arg20 : memref<128x128xf32, #tpu.memory_space<vmem>>) target(%dma_start3A_288 : memref<10000x128xf32, #tpu.memory_space<vmem_shared>>) offsets(%arg17 : memref<128xi32, #tpu.memory_space<vmem>>) semaphore(%run_scoped3A : memref<!tpu.dma_semaphore, #tpu.memory_space<semaphore_mem>>) {add = true}
        %dma_wait3A_289 = arith.constant 0 : i32
        %dma_wait3A_290 = arith.constant 0 : i32
        %dma_wait3A_291 = tpu.memref_slice %arg21[%dma_wait3A_289, %dma_wait3A_290] : memref<10000x128xf32, #tpu.memory_space<vmem_shared>> -> memref<10000x128xf32, #tpu.memory_space<vmem_shared>>
        tpu.wait_indirect_dma semaphore(%run_scoped3A : memref<!tpu.dma_semaphore, #tpu.memory_space<semaphore_mem>>) src(%arg20 : memref<128x128xf32, #tpu.memory_space<vmem>>) dst(%dma_wait3A_291 : memref<10000x128xf32, #tpu.memory_space<vmem_shared>>)
        tpu.yield
      }) : () -> ()
      %add3A_271 = arith.constant 6 : i32
      %add3A_272 = arith.addi %add3A_267, %add3A_271 : i32
      %le3A_273 = arith.constant 77 : i32
      %le3A_274 = arith.cmpi sle, %add3A_272, %le3A_273 : i32
      %convert_element_type3A_275 = arith.extui %le3A_274 : i1 to i32
      %cond3A_276 = arith.constant 0 : i32
      %cond3A_277 = arith.cmpi ne, %convert_element_type3A_275, %cond3A_276 : i32
      scf.if %cond3A_277 {
        %add3A_286 = arith.constant 6 : i32
        %add3A_287 = arith.addi %add3A_267, %add3A_286 : i32
        %mul3A_288 = arith.constant 32 : i32
        %mul3A_289 = arith.muli %add3A_287, %mul3A_288 : i32
        %add3A_290 = arith.addi %mul3A_289, %add3A : i32
        %mul3A_291 = arith.constant 128 : i32
        %mul3A_292 = arith.muli %add3A_290, %mul3A_291 : i32
        %dma_start3A_293 = arith.constant 0 : i32
        %dma_start3A_294 = tpu.memref_slice %arg3[%dma_start3A_293, %mul3A_292] : memref<2x320000xi32, #tpu.memory_space<hbm>> -> memref<1x128xi32, #tpu.memory_space<hbm>>
        %dma_start3A_295 = tpu.memref_squeeze %dma_start3A_294 : memref<1x128xi32, #tpu.memory_space<hbm>> -> memref<128xi32, #tpu.memory_space<hbm>>
        %dma_start3A_296 = tpu.memref_slice %arg3[%dma_start3A_293, %mul3A_292] : memref<2x320000xi32, #tpu.memory_space<hbm>> -> memref<1x128xi32, #tpu.memory_space<hbm>>
        %dma_start3A_297 = tpu.memref_squeeze %dma_start3A_296 : memref<1x128xi32, #tpu.memory_space<hbm>> -> memref<128xi32, #tpu.memory_space<hbm>>
        tpu.enqueue_dma source(%dma_start3A_297 : memref<128xi32, #tpu.memory_space<hbm>>) target(%arg17 : memref<128xi32, #tpu.memory_space<vmem>>) target_semaphore(%arg30 : memref<!tpu.dma_semaphore, #tpu.memory_space<semaphore_mem>>)
        %dma_start3A_298 = tpu.memref_slice %arg4[%mul3A_292] : memref<320000xi32, #tpu.memory_space<hbm>> -> memref<128xi32, #tpu.memory_space<hbm>>
        %dma_start3A_299 = tpu.memref_slice %arg4[%mul3A_292] : memref<320000xi32, #tpu.memory_space<hbm>> -> memref<128xi32, #tpu.memory_space<hbm>>
        tpu.enqueue_dma source(%dma_start3A_299 : memref<128xi32, #tpu.memory_space<hbm>>) target(%arg11 : memref<128xi32, #tpu.memory_space<vmem>>) target_semaphore(%arg30 : memref<!tpu.dma_semaphore, #tpu.memory_space<semaphore_mem>>)
      } else {
      }
      %add3A_278 = arith.constant 3 : i32
      %add3A_279 = arith.addi %add3A_267, %add3A_278 : i32
      %le3A_280 = arith.constant 77 : i32
      %le3A_281 = arith.cmpi sle, %add3A_279, %le3A_280 : i32
      %convert_element_type3A_282 = arith.extui %le3A_281 : i1 to i32
      %cond3A_283 = arith.constant 0 : i32
      %cond3A_284 = arith.cmpi ne, %convert_element_type3A_282, %cond3A_283 : i32
      scf.if %cond3A_284 {
        %add3A_286 = arith.constant 3 : i32
        %add3A_287 = arith.addi %add3A_267, %add3A_286 : i32
        %mul3A_288 = arith.constant 32 : i32
        %mul3A_289 = arith.muli %add3A_287, %mul3A_288 : i32
        %add3A_290 = arith.addi %mul3A_289, %add3A : i32
        %mul3A_291 = arith.constant 128 : i32
        %mul3A_292 = arith.muli %add3A_290, %mul3A_291 : i32
        %dma_wait3A_293 = arith.constant 0 : i32
        %dma_wait3A_294 = tpu.memref_slice %arg3[%dma_wait3A_293, %mul3A_292] : memref<2x320000xi32, #tpu.memory_space<hbm>> -> memref<1x128xi32, #tpu.memory_space<hbm>>
        %dma_wait3A_295 = tpu.memref_squeeze %dma_wait3A_294 : memref<1x128xi32, #tpu.memory_space<hbm>> -> memref<128xi32, #tpu.memory_space<hbm>>
        %dma_wait3A_296 = tpu.memref_slice %arg3[%dma_wait3A_293, %mul3A_292] : memref<2x320000xi32, #tpu.memory_space<hbm>> -> memref<1x128xi32, #tpu.memory_space<hbm>>
        %dma_wait3A_297 = tpu.memref_squeeze %dma_wait3A_296 : memref<1x128xi32, #tpu.memory_space<hbm>> -> memref<128xi32, #tpu.memory_space<hbm>>
        tpu.wait_dma2 semaphore(%arg27 : memref<!tpu.dma_semaphore, #tpu.memory_space<semaphore_mem>>) src(%dma_wait3A_297 : memref<128xi32, #tpu.memory_space<hbm>>) dst(%arg14 : memref<128xi32, #tpu.memory_space<vmem>>)
        %dma_wait3A_298 = tpu.memref_slice %arg4[%mul3A_292] : memref<320000xi32, #tpu.memory_space<hbm>> -> memref<128xi32, #tpu.memory_space<hbm>>
        %dma_wait3A_299 = tpu.memref_slice %arg4[%mul3A_292] : memref<320000xi32, #tpu.memory_space<hbm>> -> memref<128xi32, #tpu.memory_space<hbm>>
        tpu.wait_dma2 semaphore(%arg27 : memref<!tpu.dma_semaphore, #tpu.memory_space<semaphore_mem>>) src(%dma_wait3A_299 : memref<128xi32, #tpu.memory_space<hbm>>) dst(%arg8 : memref<128xi32, #tpu.memory_space<vmem>>)
        %dma_start3A_300 = arith.constant 0 : i32
        %dma_start3A_301 = arith.constant 0 : i32
        %dma_start3A_302 = tpu.memref_slice %arg2[%dma_start3A_300, %dma_start3A_301] : memref<10000x128xf32, #tpu.memory_space<hbm>> -> memref<10000x128xf32, #tpu.memory_space<hbm>>
        tpu.enqueue_indirect_dma source(%dma_start3A_302 : memref<10000x128xf32, #tpu.memory_space<hbm>>) target(%arg20 : memref<128x128xf32, #tpu.memory_space<vmem>>) offsets(%arg8 : memref<128xi32, #tpu.memory_space<vmem>>) semaphore(%arg24 : memref<!tpu.dma_semaphore, #tpu.memory_space<semaphore_mem>>)
      } else {
      }
      %scan3A_285 = arith.constant 0 : i32
      scf.yield %scan3A_285 : i32
    }
    %scan3A_135 = arith.constant 13 : i32
    %lt3A = arith.constant 4 : i32
    %lt3A_136 = arith.cmpi slt, %add3A, %lt3A : i32
    %convert_element_type3A_137 = arith.extui %lt3A_136 : i1 to i32
    %cond3A_138 = arith.constant 0 : i32
    %cond3A_139 = arith.cmpi ne, %convert_element_type3A_137, %cond3A_138 : i32
    scf.if %cond3A_139 {
      %add3A_158 = arith.constant 2496 : i32
      %add3A_159 = arith.addi %add3A_158, %add3A : i32
      %mul3A_160 = arith.constant 128 : i32
      %mul3A_161 = arith.muli %add3A_159, %mul3A_160 : i32
      %dma_start3A_162 = arith.constant 0 : i32
      %dma_start3A_163 = tpu.memref_slice %arg3[%dma_start3A_162, %mul3A_161] : memref<2x320000xi32, #tpu.memory_space<hbm>> -> memref<1x128xi32, #tpu.memory_space<hbm>>
      %dma_start3A_164 = tpu.memref_squeeze %dma_start3A_163 : memref<1x128xi32, #tpu.memory_space<hbm>> -> memref<128xi32, #tpu.memory_space<hbm>>
      %dma_start3A_165 = tpu.memref_slice %arg3[%dma_start3A_162, %mul3A_161] : memref<2x320000xi32, #tpu.memory_space<hbm>> -> memref<1x128xi32, #tpu.memory_space<hbm>>
      %dma_start3A_166 = tpu.memref_squeeze %dma_start3A_165 : memref<1x128xi32, #tpu.memory_space<hbm>> -> memref<128xi32, #tpu.memory_space<hbm>>
      tpu.enqueue_dma source(%dma_start3A_166 : memref<128xi32, #tpu.memory_space<hbm>>) target(%arg12 : memref<128xi32, #tpu.memory_space<vmem>>) target_semaphore(%arg25 : memref<!tpu.dma_semaphore, #tpu.memory_space<semaphore_mem>>)
      %dma_start3A_167 = tpu.memref_slice %arg4[%mul3A_161] : memref<320000xi32, #tpu.memory_space<hbm>> -> memref<128xi32, #tpu.memory_space<hbm>>
      %dma_start3A_168 = tpu.memref_slice %arg4[%mul3A_161] : memref<320000xi32, #tpu.memory_space<hbm>> -> memref<128xi32, #tpu.memory_space<hbm>>
      tpu.enqueue_dma source(%dma_start3A_168 : memref<128xi32, #tpu.memory_space<hbm>>) target(%arg6 : memref<128xi32, #tpu.memory_space<vmem>>) target_semaphore(%arg25 : memref<!tpu.dma_semaphore, #tpu.memory_space<semaphore_mem>>)
      %mul3A_169 = arith.constant 128 : i32
      %mul3A_170 = arith.muli %add3A_159, %mul3A_169 : i32
      %dma_wait3A_171 = arith.constant 0 : i32
      %dma_wait3A_172 = tpu.memref_slice %arg3[%dma_wait3A_171, %mul3A_170] : memref<2x320000xi32, #tpu.memory_space<hbm>> -> memref<1x128xi32, #tpu.memory_space<hbm>>
      %dma_wait3A_173 = tpu.memref_squeeze %dma_wait3A_172 : memref<1x128xi32, #tpu.memory_space<hbm>> -> memref<128xi32, #tpu.memory_space<hbm>>
      %dma_wait3A_174 = tpu.memref_slice %arg3[%dma_wait3A_171, %mul3A_170] : memref<2x320000xi32, #tpu.memory_space<hbm>> -> memref<1x128xi32, #tpu.memory_space<hbm>>
      %dma_wait3A_175 = tpu.memref_squeeze %dma_wait3A_174 : memref<1x128xi32, #tpu.memory_space<hbm>> -> memref<128xi32, #tpu.memory_space<hbm>>
      tpu.wait_dma2 semaphore(%arg25 : memref<!tpu.dma_semaphore, #tpu.memory_space<semaphore_mem>>) src(%dma_wait3A_175 : memref<128xi32, #tpu.memory_space<hbm>>) dst(%arg12 : memref<128xi32, #tpu.memory_space<vmem>>)
      %dma_wait3A_176 = tpu.memref_slice %arg4[%mul3A_170] : memref<320000xi32, #tpu.memory_space<hbm>> -> memref<128xi32, #tpu.memory_space<hbm>>
      %dma_wait3A_177 = tpu.memref_slice %arg4[%mul3A_170] : memref<320000xi32, #tpu.memory_space<hbm>> -> memref<128xi32, #tpu.memory_space<hbm>>
      tpu.wait_dma2 semaphore(%arg25 : memref<!tpu.dma_semaphore, #tpu.memory_space<semaphore_mem>>) src(%dma_wait3A_177 : memref<128xi32, #tpu.memory_space<hbm>>) dst(%arg6 : memref<128xi32, #tpu.memory_space<vmem>>)
      %dma_start3A_178 = arith.constant 0 : i32
      %dma_start3A_179 = arith.constant 0 : i32
      %dma_start3A_180 = tpu.memref_slice %arg2[%dma_start3A_178, %dma_start3A_179] : memref<10000x128xf32, #tpu.memory_space<hbm>> -> memref<10000x128xf32, #tpu.memory_space<hbm>>
      tpu.enqueue_indirect_dma source(%dma_start3A_180 : memref<10000x128xf32, #tpu.memory_space<hbm>>) target(%arg18 : memref<128x128xf32, #tpu.memory_space<vmem>>) offsets(%arg6 : memref<128xi32, #tpu.memory_space<vmem>>) semaphore(%arg22 : memref<!tpu.dma_semaphore, #tpu.memory_space<semaphore_mem>>)
      %dma_wait3A_181 = arith.constant 0 : i32
      %dma_wait3A_182 = arith.constant 0 : i32
      %dma_wait3A_183 = tpu.memref_slice %arg2[%dma_wait3A_181, %dma_wait3A_182] : memref<10000x128xf32, #tpu.memory_space<hbm>> -> memref<10000x128xf32, #tpu.memory_space<hbm>>
      tpu.wait_indirect_dma semaphore(%arg22 : memref<!tpu.dma_semaphore, #tpu.memory_space<semaphore_mem>>) src(%dma_wait3A_183 : memref<10000x128xf32, #tpu.memory_space<hbm>>) dst(%arg18 : memref<128x128xf32, #tpu.memory_space<vmem>>)
      "tpu.region"() ({
        %run_scoped3A = tpu.sem_alloc : memref<!tpu.dma_semaphore, #tpu.memory_space<semaphore_mem>>
        %dma_start3A_184 = arith.constant 0 : i32
        %dma_start3A_185 = arith.constant 0 : i32
        %dma_start3A_186 = tpu.memref_slice %arg21[%dma_start3A_184, %dma_start3A_185] : memref<10000x128xf32, #tpu.memory_space<vmem_shared>> -> memref<10000x128xf32, #tpu.memory_space<vmem_shared>>
        tpu.enqueue_indirect_dma source(%arg18 : memref<128x128xf32, #tpu.memory_space<vmem>>) target(%dma_start3A_186 : memref<10000x128xf32, #tpu.memory_space<vmem_shared>>) offsets(%arg12 : memref<128xi32, #tpu.memory_space<vmem>>) semaphore(%run_scoped3A : memref<!tpu.dma_semaphore, #tpu.memory_space<semaphore_mem>>) {add = true}
        %dma_wait3A_187 = arith.constant 0 : i32
        %dma_wait3A_188 = arith.constant 0 : i32
        %dma_wait3A_189 = tpu.memref_slice %arg21[%dma_wait3A_187, %dma_wait3A_188] : memref<10000x128xf32, #tpu.memory_space<vmem_shared>> -> memref<10000x128xf32, #tpu.memory_space<vmem_shared>>
        tpu.wait_indirect_dma semaphore(%run_scoped3A : memref<!tpu.dma_semaphore, #tpu.memory_space<semaphore_mem>>) src(%arg18 : memref<128x128xf32, #tpu.memory_space<vmem>>) dst(%dma_wait3A_189 : memref<10000x128xf32, #tpu.memory_space<vmem_shared>>)
        tpu.yield
      }) : () -> ()
    } else {
    }
    %barrier3A_140 = arith.constant 0 : index
    tpu.barrier barrier_id(%barrier3A_140)
    %add3A_141 = arith.constant 0 : i32
    %add3A_142 = arith.addi %mul3A_9, %add3A_141 : i32
    %add3A_143 = arith.constant 0 : i32
    %add3A_144 = arith.addi %mul3A_9, %add3A_143 : i32
    "tpu.region"() ({
      %run_scoped3A = tpu.sem_alloc : memref<!tpu.dma_semaphore, #tpu.memory_space<semaphore_mem>>
      %dma_start3A_158 = arith.constant 0 : i32
      %dma_start3A_159 = tpu.memref_slice %arg5[%arg0, %add3A_144, %dma_start3A_158] : memref<2x10000x128xf32, #tpu.memory_space<hbm>> -> memref<1x208x128xf32, #tpu.memory_space<hbm>>
      %dma_start3A_160 = tpu.memref_squeeze %dma_start3A_159 : memref<1x208x128xf32, #tpu.memory_space<hbm>> -> memref<208x128xf32, #tpu.memory_space<hbm>>
      %dma_start3A_161 = arith.constant 0 : i32
      %dma_start3A_162 = tpu.memref_slice %arg21[%add3A_142, %dma_start3A_161] : memref<10000x128xf32, #tpu.memory_space<vmem_shared>> -> memref<208x128xf32, #tpu.memory_space<vmem_shared>>
      tpu.enqueue_dma source(%dma_start3A_162 : memref<208x128xf32, #tpu.memory_space<vmem_shared>>) target(%dma_start3A_160 : memref<208x128xf32, #tpu.memory_space<hbm>>) target_semaphore(%run_scoped3A : memref<!tpu.dma_semaphore, #tpu.memory_space<semaphore_mem>>)
      %dma_wait3A_163 = arith.constant 0 : i32
      %dma_wait3A_164 = tpu.memref_slice %arg5[%arg0, %add3A_144, %dma_wait3A_163] : memref<2x10000x128xf32, #tpu.memory_space<hbm>> -> memref<1x208x128xf32, #tpu.memory_space<hbm>>
      %dma_wait3A_165 = tpu.memref_squeeze %dma_wait3A_164 : memref<1x208x128xf32, #tpu.memory_space<hbm>> -> memref<208x128xf32, #tpu.memory_space<hbm>>
      %dma_wait3A_166 = arith.constant 0 : i32
      %dma_wait3A_167 = tpu.memref_slice %arg21[%add3A_142, %dma_wait3A_166] : memref<10000x128xf32, #tpu.memory_space<vmem_shared>> -> memref<208x128xf32, #tpu.memory_space<vmem_shared>>
      tpu.wait_dma2 semaphore(%run_scoped3A : memref<!tpu.dma_semaphore, #tpu.memory_space<semaphore_mem>>) src(%dma_wait3A_167 : memref<208x128xf32, #tpu.memory_space<vmem_shared>>) dst(%dma_wait3A_165 : memref<208x128xf32, #tpu.memory_space<hbm>>)
      tpu.yield
    }) : () -> ()
    %add3A_145 = arith.constant 208 : i32
    %add3A_146 = arith.addi %mul3A_9, %add3A_145 : i32
    %add3A_147 = arith.constant 208 : i32
    %add3A_148 = arith.addi %mul3A_9, %add3A_147 : i32
    "tpu.region"() ({
      %run_scoped3A = tpu.sem_alloc : memref<!tpu.dma_semaphore, #tpu.memory_space<semaphore_mem>>
      %dma_start3A_158 = arith.constant 0 : i32
      %dma_start3A_159 = tpu.memref_slice %arg5[%arg0, %add3A_148, %dma_start3A_158] : memref<2x10000x128xf32, #tpu.memory_space<hbm>> -> memref<1x208x128xf32, #tpu.memory_space<hbm>>
      %dma_start3A_160 = tpu.memref_squeeze %dma_start3A_159 : memref<1x208x128xf32, #tpu.memory_space<hbm>> -> memref<208x128xf32, #tpu.memory_space<hbm>>
      %dma_start3A_161 = arith.constant 0 : i32
      %dma_start3A_162 = tpu.memref_slice %arg21[%add3A_146, %dma_start3A_161] : memref<10000x128xf32, #tpu.memory_space<vmem_shared>> -> memref<208x128xf32, #tpu.memory_space<vmem_shared>>
      tpu.enqueue_dma source(%dma_start3A_162 : memref<208x128xf32, #tpu.memory_space<vmem_shared>>) target(%dma_start3A_160 : memref<208x128xf32, #tpu.memory_space<hbm>>) target_semaphore(%run_scoped3A : memref<!tpu.dma_semaphore, #tpu.memory_space<semaphore_mem>>)
      %dma_wait3A_163 = arith.constant 0 : i32
      %dma_wait3A_164 = tpu.memref_slice %arg5[%arg0, %add3A_148, %dma_wait3A_163] : memref<2x10000x128xf32, #tpu.memory_space<hbm>> -> memref<1x208x128xf32, #tpu.memory_space<hbm>>
      %dma_wait3A_165 = tpu.memref_squeeze %dma_wait3A_164 : memref<1x208x128xf32, #tpu.memory_space<hbm>> -> memref<208x128xf32, #tpu.memory_space<hbm>>
      %dma_wait3A_166 = arith.constant 0 : i32
      %dma_wait3A_167 = tpu.memref_slice %arg21[%add3A_146, %dma_wait3A_166] : memref<10000x128xf32, #tpu.memory_space<vmem_shared>> -> memref<208x128xf32, #tpu.memory_space<vmem_shared>>
      tpu.wait_dma2 semaphore(%run_scoped3A : memref<!tpu.dma_semaphore, #tpu.memory_space<semaphore_mem>>) src(%dma_wait3A_167 : memref<208x128xf32, #tpu.memory_space<vmem_shared>>) dst(%dma_wait3A_165 : memref<208x128xf32, #tpu.memory_space<hbm>>)
      tpu.yield
    }) : () -> ()
    %add3A_149 = arith.constant 416 : i32
    %add3A_150 = arith.addi %mul3A_9, %add3A_149 : i32
    %add3A_151 = arith.constant 416 : i32
    %add3A_152 = arith.addi %mul3A_9, %add3A_151 : i32
    "tpu.region"() ({
      %run_scoped3A = tpu.sem_alloc : memref<!tpu.dma_semaphore, #tpu.memory_space<semaphore_mem>>
      %dma_start3A_158 = arith.constant 0 : i32
      %dma_start3A_159 = tpu.memref_slice %arg5[%arg0, %add3A_152, %dma_start3A_158] : memref<2x10000x128xf32, #tpu.memory_space<hbm>> -> memref<1x208x128xf32, #tpu.memory_space<hbm>>
      %dma_start3A_160 = tpu.memref_squeeze %dma_start3A_159 : memref<1x208x128xf32, #tpu.memory_space<hbm>> -> memref<208x128xf32, #tpu.memory_space<hbm>>
      %dma_start3A_161 = arith.constant 0 : i32
      %dma_start3A_162 = tpu.memref_slice %arg21[%add3A_150, %dma_start3A_161] : memref<10000x128xf32, #tpu.memory_space<vmem_shared>> -> memref<208x128xf32, #tpu.memory_space<vmem_shared>>
      tpu.enqueue_dma source(%dma_start3A_162 : memref<208x128xf32, #tpu.memory_space<vmem_shared>>) target(%dma_start3A_160 : memref<208x128xf32, #tpu.memory_space<hbm>>) target_semaphore(%run_scoped3A : memref<!tpu.dma_semaphore, #tpu.memory_space<semaphore_mem>>)
      %dma_wait3A_163 = arith.constant 0 : i32
      %dma_wait3A_164 = tpu.memref_slice %arg5[%arg0, %add3A_152, %dma_wait3A_163] : memref<2x10000x128xf32, #tpu.memory_space<hbm>> -> memref<1x208x128xf32, #tpu.memory_space<hbm>>
      %dma_wait3A_165 = tpu.memref_squeeze %dma_wait3A_164 : memref<1x208x128xf32, #tpu.memory_space<hbm>> -> memref<208x128xf32, #tpu.memory_space<hbm>>
      %dma_wait3A_166 = arith.constant 0 : i32
      %dma_wait3A_167 = tpu.memref_slice %arg21[%add3A_150, %dma_wait3A_166] : memref<10000x128xf32, #tpu.memory_space<vmem_shared>> -> memref<208x128xf32, #tpu.memory_space<vmem_shared>>
      tpu.wait_dma2 semaphore(%run_scoped3A : memref<!tpu.dma_semaphore, #tpu.memory_space<semaphore_mem>>) src(%dma_wait3A_167 : memref<208x128xf32, #tpu.memory_space<vmem_shared>>) dst(%dma_wait3A_165 : memref<208x128xf32, #tpu.memory_space<hbm>>)
      tpu.yield
    }) : () -> ()
    %eq3A_153 = arith.constant 15 : i32
    %eq3A_154 = arith.cmpi eq, %arg1, %eq3A_153 : i32
    %convert_element_type3A_155 = arith.extui %eq3A_154 : i1 to i32
    %cond3A_156 = arith.constant 0 : i32
    %cond3A_157 = arith.cmpi ne, %convert_element_type3A_155, %cond3A_156 : i32
    scf.if %cond3A_157 {
      "tpu.region"() ({
        %run_scoped3A = tpu.sem_alloc : memref<!tpu.dma_semaphore, #tpu.memory_space<semaphore_mem>>
        %dma_start3A_158 = arith.constant 9984 : i32
        %dma_start3A_159 = arith.constant 0 : i32
        %dma_start3A_160 = tpu.memref_slice %arg5[%arg0, %dma_start3A_158, %dma_start3A_159] : memref<2x10000x128xf32, #tpu.memory_space<hbm>> -> memref<1x16x128xf32, #tpu.memory_space<hbm>>
        %dma_start3A_161 = tpu.memref_squeeze %dma_start3A_160 : memref<1x16x128xf32, #tpu.memory_space<hbm>> -> memref<16x128xf32, #tpu.memory_space<hbm>>
        %dma_start3A_162 = arith.constant 9984 : i32
        %dma_start3A_163 = arith.constant 0 : i32
        %dma_start3A_164 = tpu.memref_slice %arg21[%dma_start3A_162, %dma_start3A_163] : memref<10000x128xf32, #tpu.memory_space<vmem_shared>> -> memref<16x128xf32, #tpu.memory_space<vmem_shared>>
        tpu.enqueue_dma source(%dma_start3A_164 : memref<16x128xf32, #tpu.memory_space<vmem_shared>>) target(%dma_start3A_161 : memref<16x128xf32, #tpu.memory_space<hbm>>) target_semaphore(%run_scoped3A : memref<!tpu.dma_semaphore, #tpu.memory_space<semaphore_mem>>)
        %dma_wait3A_165 = arith.constant 9984 : i32
        %dma_wait3A_166 = arith.constant 0 : i32
        %dma_wait3A_167 = tpu.memref_slice %arg5[%arg0, %dma_wait3A_165, %dma_wait3A_166] : memref<2x10000x128xf32, #tpu.memory_space<hbm>> -> memref<1x16x128xf32, #tpu.memory_space<hbm>>
        %dma_wait3A_168 = tpu.memref_squeeze %dma_wait3A_167 : memref<1x16x128xf32, #tpu.memory_space<hbm>> -> memref<16x128xf32, #tpu.memory_space<hbm>>
        %dma_wait3A_169 = arith.constant 9984 : i32
        %dma_wait3A_170 = arith.constant 0 : i32
        %dma_wait3A_171 = tpu.memref_slice %arg21[%dma_wait3A_169, %dma_wait3A_170] : memref<10000x128xf32, #tpu.memory_space<vmem_shared>> -> memref<16x128xf32, #tpu.memory_space<vmem_shared>>
        tpu.wait_dma2 semaphore(%run_scoped3A : memref<!tpu.dma_semaphore, #tpu.memory_space<semaphore_mem>>) src(%dma_wait3A_171 : memref<16x128xf32, #tpu.memory_space<vmem_shared>>) dst(%dma_wait3A_168 : memref<16x128xf32, #tpu.memory_space<hbm>>)
        tpu.yield
      }) : () -> ()
    } else {
    }
    return
  }
}

</mosaic_0001>

<sc_bundles>
// kernel: _sc_scatter.3.cloned.1.call-start
scs
__scs_entry_jumppad:
0x0: {  	(pc) =	sbr.rel $0x88, $3  }
0x1: {  	(tag) =	ssettag $0x0;
	lr =	simm.s32 $0x1  }
0x2: {  	[smem:$0x3F9E] =	sst lr;
	_ =	strace $0xD0000000  }
0x3: {  	_ = 	snop  }
0x4: {  	_ = 	snop  }
0x5: {  	_ = 	snop  }
0x6: {  	_ = 	snop  }
0x7: {  	_ = 	snop  }
__scs_overlays_trampoline_lowered:
0x8: {  	[smem:$0x3FAD] =	sst s0  }
0x9: {  	[smem:$0x3FAE] =	sst s1  }
0xa: {  	[smem:$0x3FAF] =	sst s2  }
0xb: {  	[smem:$0x3FB0] =	sst s3  }
0xc: {  	[smem:$0x3FB1] =	sst s4  }
0xd: {  	[smem:$0x3FB2] =	sst s5  }
0xe: {  	[smem:$0x3FB3] =	sst s6  }
0xf: {  	[smem:$0x3FB4] =	sst s7  }
0x10: {  	[smem:$0x3FB5] =	sst s8  }
0x11: {  	[smem:$0x3FB6] =	sst s9;
	s0 =	simm.s32 @!p0 $0x0  }
0x12: {  	s1 =	sld [smem:$0x3F9C];
	s0 =	simm.s32 @p0 $0x1  }
0x13: {  	[smem:$0x3FB7] =	sst s0;
	s0 =	simm.s32 @!p1 $0x0  }
0x14: {  	s2 =	sld [smem:$0x3F9B];
	s0 =	simm.s32 @p1 $0x1  }
0x15: {  	[smem:$0x3FB8] =	sst s0;
	s0 =	simm.s32 @!p2 $0x0  }
0x16: {  	s3 =	sld [smem:$0x3FDB];
	s0 =	simm.s32 @p2 $0x1  }
0x17: {  	s4 =	simm.s32 $0x1BF5;
	[smem:$0x3FBA] =	sst s0  }
0x18: {  	s0 =	sld [smem:$0x3F9D];
	_ =	swait.ge [sflag:s4], $0x0  }
0x19: {  	s7 =	sld [smem:$0x3F9E]  }
0x1a: {  	s8 =	sadd.s32 $0xFFFFE003, lr  }
0x1b: {  	s9 =	sadd.s32 $0xFFFFFEF7, lr;
	s5 =	simm.s32 $0xFFFFFFFF;
	p2 =	slt.u32 s8, $0xFFFFF086  }
0x1c: {  	p1 =	slt.u32 s9, $0xF7A;
	s5 =	simm.s32 @!p2 $0x0  }
0x1d: {  	s5 =	simm.s32 @p1 $0x1;
	p0 =	seq.s32 s7, s2  }
0x1e: {  	s7 =	smul.u32 @!p0 $0xF7A, s2;
	p2 =	seq.s32 @!p0 s5, $0x0  }
0x1f: {  	s9 =	smul.u32 $0xF7A, s1;
	s8 =	simm.s32 @!p0 $0x1BF5;
	p2 =	por !p2, p0  }
0x20: {  	[sflag:s8] =	ssyncset.s32 @!p0 $0xFFFFF086;
	s6 =	sadd.s32 @!p0 s3, s7;
	s7 =	simm.s32 @!p0 $0x108  }
0x21: {  	s3 =	sadd.s32 s3, s9;
	s6 =	sadd.s32 @!p0 $0x88, s6;
	s7 =	simm.s32 @p2 $0x1082  }
0x22: {  	[simem:s7], [sflag:s8] =	dma.local @!p0 [hbm:s6], $0xF7A  }
0x23: {  	s9 =	sor.u32 $0xD0000000, s2;
	s6 =	simm.s32 $0x108;
	_ =	swait.ge @!p0 [sflag:s8], $0x0  }
0x24: {  	s3 =	sadd.s32 $0x88, s3;
	s6 =	simm.s32 @!p1 $0x1082;
	[sflag:s4] =	ssyncset.s32 $0xFFFFF086  }
0x25: {  	[simem:s6], [sflag:s4] =	dma.local [hbm:s3], $0xF7A  }
0x26: {  	[smem:$0x3F9E] =	sst s1;
	(tag) =	ssettag s2;
	_ =	strace s9  }
0x27: {  	s1 =	sld [smem:$0x3FAE]  }
0x28: {  	s2 =	sld [smem:$0x3FAF]  }
0x29: {  	s4 =	sld [smem:$0x3FB1]  }
0x2a: {  	p0 =	seq.s32 s5, $0x0;
	s5 =	sld [smem:$0x3FB2]  }
0x2b: {  	s6 =	sld [smem:$0x3FB3]  }
0x2c: {  	s7 =	sld [smem:$0x3FB4]  }
0x2d: {  	s3 =	simm.s32 $0x108;
	s8 =	sld [smem:$0x3FB5]  }
0x2e: {  	s3 =	simm.s32 @!p0 $0x1082;
	s9 =	sld [smem:$0x3FB6]  }
0x2f: {  	lr =	sadd.s32 s0, s3;
	s0 =	sld [smem:$0x3FAD]  }
0x30: {  	s3 =	sld [smem:$0x3FB0]  }
0x31: {  	[smem:$0x3FB9] =	sst s10  }
0x32: {  	s10 =	sld [smem:$0x3FB7];
	_ =	sdelay $0x3  }
0x33: {  	p0 =	seq.s32 s10, $0x1;
	s10 =	sld [smem:$0x3FB9];
	_ =	sdelay $0x3  }
0x34: {  	[smem:$0x3FB9] =	sst s10  }
0x35: {  	s10 =	sld [smem:$0x3FB8];
	_ =	sdelay $0x3  }
0x36: {  	p1 =	seq.s32 s10, $0x1;
	s10 =	sld [smem:$0x3FB9];
	_ =	sdelay $0x3  }
0x37: {  	[smem:$0x3FB9] =	sst s10  }
0x38: {  	s10 =	sld [smem:$0x3FBA]  }
0x39: {  	_ = 	snop;
	(pc) =	sbr.ind lr, $3  }
0x3a: {  	_ = 	snop  }
0x3b: {  	_ = 	snop  }
0x3c: {  	p2 =	seq.s32 s10, $0x1;
	s10 =	sld [smem:$0x3FB9]  }
0x3d: {  	_ =	shalt  }
0x3e: {  	_ =	shalt  }
0x3f: {  	_ =	shalt  }
0x40: {  	_ =	shalt  }
0x41: {  	_ =	shalt  }
0x42: {  	_ =	shalt  }
0x43: {  	_ =	shalt  }
0x44: {  	_ =	shalt  }
0x45: {  	_ =	shalt  }
0x46: {  	_ =	shalt  }
0x47: {  	_ =	shalt  }
0x48: {  	_ =	shalt  }
0x49: {  	_ =	shalt  }
0x4a: {  	_ =	shalt  }
0x4b: {  	_ =	shalt  }
0x4c: {  	_ =	shalt  }
0x4d: {  	_ =	shalt  }
0x4e: {  	_ =	shalt  }
0x4f: {  	_ =	shalt  }
0x50: {  	_ =	shalt  }
0x51: {  	_ =	shalt  }
0x52: {  	_ =	shalt  }
0x53: {  	_ =	shalt  }
0x54: {  	_ =	shalt  }
0x55: {  	_ =	shalt  }
0x56: {  	_ =	shalt  }
0x57: {  	_ =	shalt  }
0x58: {  	_ =	shalt  }
0x59: {  	_ =	shalt  }
0x5a: {  	_ =	shalt  }
0x5b: {  	_ =	shalt  }
0x5c: {  	_ =	shalt  }
0x5d: {  	_ =	shalt  }
0x5e: {  	_ =	shalt  }
0x5f: {  	_ =	shalt  }
0x60: {  	_ =	shalt  }
0x61: {  	_ =	shalt  }
0x62: {  	_ =	shalt  }
0x63: {  	_ =	shalt  }
0x64: {  	_ =	shalt  }
0x65: {  	_ =	shalt  }
0x66: {  	_ =	shalt  }
0x67: {  	_ =	shalt  }
0x68: {  	_ =	shalt  }
0x69: {  	_ =	shalt  }
0x6a: {  	_ =	shalt  }
0x6b: {  	_ =	shalt  }
0x6c: {  	_ =	shalt  }
0x6d: {  	_ =	shalt  }
0x6e: {  	_ =	shalt  }
0x6f: {  	_ =	shalt  }
0x70: {  	_ =	shalt  }
0x71: {  	_ =	shalt  }
0x72: {  	_ =	shalt  }
0x73: {  	_ =	shalt  }
0x74: {  	_ =	shalt  }
0x75: {  	_ =	shalt  }
0x76: {  	_ =	shalt  }
0x77: {  	_ =	shalt  }
0x78: {  	_ =	shalt  }
0x79: {  	_ =	shalt  }
0x7a: {  	_ =	shalt  }
0x7b: {  	_ =	shalt  }
0x7c: {  	_ =	shalt  }
0x7d: {  	_ =	shalt  }
0x7e: {  	_ =	shalt  }
0x7f: {  	_ =	shalt  }
0x80: {  	_ =	shalt  }
0x81: {  	_ =	shalt  }
0x82: {  	_ =	shalt  }
0x83: {  	_ =	shalt  }
0x84: {  	_ =	shalt  }
0x85: {  	_ =	shalt  }
0x86: {  	_ =	shalt  }
0x87: {  	_ =	shalt  }
.Lfunc_end0:
.L_simem_size_0:
called_computation_lowered:
.L_overlay_start_0:
0x88: {  	s2 =	sld [smem:$0x3FD9]  }
0x89: {  	s3 =	sld [smem:$0x3FFE];
	_ =	sdelay $0x1  }
0x8a: {  	s1 =	srdreg.scid  }
0x8b: {  	s0 =	sand.u32 $0x1, s1  }
0x8c: {  	s18 =	sshll.u32 s0, $0xA;
	s2 =	sadd.s32 s3, s2  }
0x8d: {  	s2 =	sadd.s32 s2, s18  }
0x8e: {  	[smem:$0x3FC5] =	sst s2  }
0x8f: {  	_ = 	snop  }
0x90: {  	s2 =	sld [smem:$0x3FC9]  }
0x91: {  	s19 =	sld [smem:$0x3FC8]  }
0x92: {  	s4 =	sld [smem:$0x3FC7]  }
0x93: {  	s5 =	sld [smem:$0x3FD0];
	(tm) =	ssettm $0x1  }
0x94: {  	s6 =	sld [smem:$0x3FFB];
	_ =	sdelay $0x3  }
0x95: {  	_ =	strace s6  }
0x96: {  	s6 =	sld [smem:$0x3FFC];
	_ =	sdelay $0x3  }
0x97: {  	_ =	strace s6  }
0x98: {  	s6 =	sld [smem:$0x3FFD];
	_ =	sdelay $0x3  }
0x99: {  	_ =	strace s6  }
0x9a: {  	_ =	strace $0x8FFFFFFF  }
0x9b: {  	s20 =	sld [smem:$0x3FDB];
	_ =	sdelay $0x1  }
0x9c: {  	s7 =	simm.s32 $_scs_section_size  }
0x9d: {  	s8 =	simm.s32 $_size__tile_overlayer_lowered;
	s9 =	simm.s32 $_tile_overlayer_lowered  }
0x9e: {  	s23 =	simm.s32 $0x1BFF;
	s22 =	sshll.u32 s9, $0x1;
	s6 =	sadd.s32 s7, s20  }
0x9f: {  	s10 =	simm.s32 $0x0;
	s21 =	sshll.u32 s8, $0x1;
	s8 =	sadd.s32 s22, s6  }
0xa0: {  	[timem:s10], [sflag:s23] =	dma.local [hbm:s8], s21  }
0xa1: {  	_ =	swait.ge [sflag:s23], s21  }
0xa2: {  	s7 =	ssub.s32 $0x0, s21;
	[sflag:s23] =	ssyncset.done $0x0  }
0xa3: {  	[sflag:s23] =	ssyncadd.s32 s7;
	_ =	sdelay $0x1  }
0xa4: {  	s24 =	simm.s32 $0x1B8B  }
0xa5: {  	_ =	swait.ge [sflag:s24], $0x1  }
0xa6: {  	[sflag:s24] =	ssyncset.done $0x0  }
0xa7: {  	s25 =	simm.s32 $0x1B8E;
	[sflag:s24] =	ssyncadd.s32 $0xFFFFFFFF  }
0xa8: {  	s26 =	simm.s32 $execute0_lowered;
	[smem:$0x3FD2] =	sst s25  }
0xa9: {  	s7 =	sshll.u32 s26, $0x1;
	_ =	strace $0x80000046;
	[dreg:$0x1] =	wrdreg $0xFFFFFFFF  }
0xaa: {  	s28 =	simm.s32 $_size_execute0_lowered;
	s6 =	sadd.s32 s6, s7;
	[dreg:$0x0] =	wrdreg $0x0  }
0xab: {  	s7 =	sshll.u32 s28, $0x1;
	[dreg:$0x2] =	wrdreg s6  }
0xac: {  	[dreg:$0x3] =	wrdreg s7  }
0xad: {  	[dreg:$0x4] =	wrdreg $0xC0  }
0xae: {  	_ =	task [dreg:s10], $0x5FFFF  }
0xaf: {  	[dreg:$0x1] =	wrdreg $0xFFFFFFFF  }
0xb0: {  	[dreg:$0x0] =	wrdreg $0x60  }
0xb1: {  	[dreg:$0x2] =	wrdreg s2  }
0xb2: {  	[dreg:$0x3] =	wrdreg s19  }
0xb3: {  	[dreg:$0x4] =	wrdreg s4  }
0xb4: {  	[dreg:$0x5] =	wrdreg s5  }
0xb5: {  	[dreg:$0x6] =	wrdreg $0xC6000  }
0xb6: {  	[dreg:$0x7] =	wrdreg $0x9  }
0xb7: {  	_ =	task.clear_ibuf [dreg:s10], $0x8FFFF;
	_ =	strace $0x90000046  }
0xb8: {  	s29 =	simm.s32 $0x9;
	_ =	strace $0x80000048  }
0xb9: {  	_ =	swait.ge [sflag:s29], $0x1  }
0xba: {  	[sflag:s29] =	ssyncadd.s32 $0xFFFFFFFF  }
0xbb: {  	_ =	strace $0x90000048  }
0xbc: {  	_ =	sfence  }
0xbd: {  	s30 =	sld [smem:$0x0];
	_ =	sdelay $0x2  }
0xbe: {  	s31 =	sshll.u32 s1, $0xD;
	s1 =	sshrl.u32 s1, $0x2  }
0xbf: {  	s3 =	sand.u32 $0x4000, s31;
	s1 =	sadd.s32 s1, s30  }
0xc0: {  	s0 =	sor.u32 s3, s0;
	s1 =	sshll.u32 s1, $0x11  }
0xc1: {  	s0 =	sor.u32 s1, s0  }
0xc2: {  	s0 =	sadd.s32 $0x8F2B, s0  }
0xc3: {  	[sflag:s0] =	ssyncadd.remote.s32 $0x1  }
0xc4: {  	_ =	sfence.sel $0xFFFF  }
0xc5: {  	[dreg:$0x0] =	wrdreg $0xFFFFFFFF;
	(pc) =	sbr.abs _section_cstart, $3  }
0xc6: {  	[dreg:$0x1] =	wrdreg $0xFFFFFFFF  }
0xc7: {  	_ =	task.clear_ibuf [dreg:s10], $0x2FFFF;
	_ =	strace $0x9FFFFFFF  }
0xc8: {  	(tm) =	ssettm $0x7FFFFFFF  }
0xc9: {  	_ =	shalt  }
tec
execute0_lowered:
.L_overlay_start_1:
0x0: {  	(tag) =	ssettag $0x1  }
0x1: {  	s0 =	srdreg.scid;
	s3 =	rddreg [dreg:$0x2]  }
0x2: {  	s17 =	stileid.u32;
	s5 =	rddreg [dreg:$0x3];
	s29 =	simm.s32 $0x7  }
0x3: {  	s28 =	simm.s32 $0x2;
	s30 =	simm.s32 $0x8;
	s31 =	simm.s32 $0x3  }
0x4: {  	s1 =	sand.u32 $0x1, s0;
	s2 =	sshll.u32 s17, $0x1;
	s6 =	smul.u32 $0x4E000, s17  }
0x5: {  	s15 =	smul.u32 $0x13800, s17;
	p0 =	sne.s32 s17, $0xF;
	p1 =	sgt.u32 s17, $0x1  }
0x6: {  	s0 =	ssub.s32 $0x2, s1;
	s2 =	sor.u32 s1, s2;
	s11 =	smul.u32 $0x138800, s1  }
0x7: {  	s4 =	sshrl.u32 s0, $0x1;
	s19 =	sshll.u32 s2, $0x4;
	s8 =	sor.u32 $0x40, s2  }
0x8: {  	s9 =	sor.u32 $0x60, s2;
	s13 =	sor.u32 $0xA0, s2;
	s14 =	sor.u32 $0x9C0, s2  }
0x9: {  	s16 =	sadd.s32 $0x6800, s15;
	s0 =	ssub.s32 s0, s4;
	s4 =	sadd.s32 s3, s19  }
0xa: {  	s20 =	sshll.u32 s8, $0x4;
	s10 =	sshll.u32 s9, $0x4;
	s12 =	sshll.u32 s13, $0x4  }
0xb: {  	s24 =	sshll.u32 s14, $0x4;
	s25 =	sadd.s32 s15, s11;
	s26 =	sadd.s32 s11, s16  }
0xc: {  	s15 =	sadd.s32 $0xD000, s15;
	[dreg:$0x6] =	wrdreg s4;
	s4 =	sor.u32 $0x20, s2  }
0xd: {  	s21 =	sadd.s32 s3, s10;
	s23 =	sadd.s32 s3, s12;
	s18 =	sshrl.u32 s26, $0x3  }
0xe: {  	s19 =	sadd.s32 s11, s15;
	s7 =	sshll.u32 s4, $0x4;
	[dreg:$0x9] =	wrdreg s21  }
0xf: {  	s11 =	sshrl.u32 s11, $0x3;
	[dreg:$0xb] =	wrdreg s23;
	s7 =	sadd.s32 s3, s7  }
0x10: {  	s26 =	sshll.u32 s8, $0x5;
	[dreg:$0x7] =	wrdreg s7;
	s7 =	sadd.s32 s3, s20  }
0x11: {  	s0 =	smax.u32 s0, $0x1;
	[dreg:$0x8] =	wrdreg s7;
	s7 =	sor.u32 $0x80, s2  }
0x12: {  	s21 =	sshll.u32 s17, $0x5;
	s23 =	sshrl.u32 s6, $0x2;
	s22 =	sshll.u32 s7, $0x4  }
0x13: {  	s4 =	sshll.u32 s4, $0x5;
	s20 =	sshrl.u32 s19, $0x3;
	s10 =	sadd.s32 s3, s22  }
0x14: {  	s2 =	sshll.u32 s2, $0x5;
	s7 =	sshll.u32 s7, $0x5;
	[dreg:$0xa] =	wrdreg s10  }
0x15: {  	s22 =	sshll.u32 s1, $0x4;
	s10 =	sadd.s32 s3, s24;
	s24 =	rddreg [dreg:$0x1]  }
0x16: {  	s1 =	sshll.u32 s1, $0x5;
	s3 =	sadd.s32 s21, s3;
	[dreg:$0xc] =	wrdreg s10  }
0x17: {  	s12 =	sadd.s32 s22, s3;
	s2 =	sadd.s32 s24, s2;
	s22 =	rddreg [dreg:$0x4]  }
0x18: {  	s10 =	sshrl.u32 s25, $0x3;
	s25 =	sadd.s32 s24, s4;
	[dreg:$0x10] =	wrdreg s2  }
0x19: {  	s4 =	sshll.u32 s9, $0x5;
	s8 =	sadd.s32 s24, s7;
	[dreg:$0x11] =	wrdreg s25  }
0x1a: {  	s9 =	sshll.u32 s13, $0x5;
	s13 =	sshll.u32 s17, $0x6;
	[dreg:$0x14] =	wrdreg s8  }
0x1b: {  	s3 =	simm.s32 $0x600;
	s10 =	sadd.s32 s5, s10;
	[dreg:$0x17] =	wrdreg s13  }
0x1c: {  	s7 =	simm.s32 $0x80;
	s2 =	sadd.s32 s24, s26;
	[dreg:$0xd] =	wrdreg s10  }
0x1d: {  	s6 =	sadd.s32 s23, s22;
	s10 =	sadd.s32 s5, s18;
	[dreg:$0x12] =	wrdreg s2  }
0x1e: {  	s15 =	sadd.s32 s15, s22;
	s2 =	sadd.s32 s24, s4;
	[dreg:$0xe] =	wrdreg s10  }
0x1f: {  	s8 =	simm.s32 $0x400;
	s21 =	sshrl.u32 s15, $0x3;
	[dreg:$0x13] =	wrdreg s2  }
0x20: {  	s23 =	sadd.s32 $0x4000, s6;
	s10 =	sadd.s32 s5, s20;
	s20 =	rddreg [dreg:$0x0]  }
0x21: {  	s5 =	sadd.s32 s5, s11;
	s11 =	simm.s32 $0x0;
	[dreg:$0xf] =	wrdreg s10  }
0x22: {  	s2 =	sadd.s32 s24, s9;
	[smem:$0x7FF] =	sst s11;
	s10 =	sshll.u32 s14, $0x5  }
0x23: {  	s25 =	sadd.s32 $0xC000, s6;
	[dreg:$0x15] =	wrdreg s2;
	s2 =	sadd.s32 s24, s10  }
0x24: {  	s14 =	sadd.s32 s16, s22;
	s16 =	sadd.s32 $0x27000, s5;
	[dreg:$0x16] =	wrdreg s2  }
0x25: {  	s26 =	sadd.s32 $0x10000, s6;
	_ =	strace $0x80000047;
	[dreg:$0x19] =	wrdreg s16  }
0x26: {  	s4 =	simm.s32 $0xA;
	s19 =	sshrl.u32 s14, $0x3;
	[dreg:$0x1a] =	wrdreg s0  }
0x27: {  	s15 =	simm.s32 $0x580;
	s9 =	simm.s32 $0x100;
	[dreg:$0x1c] =	wrdreg s19  }
0x28: {  	s5 =	sadd.s32 $0x138000, s22;
	s10 =	simm.s32 $0x480;
	[dreg:$0x1d] =	wrdreg s21  }
0x29: {  	s2 =	sadd.s32 s13, s24;
	s24 =	sadd.s32 $0x8000, s6;
	[dreg:$0x1e] =	wrdreg s23  }
0x2a: {  	s14 =	simm.s32 $0x200;
	s13 =	simm.s32 $0x180;
	[dreg:$0x1f] =	wrdreg s24  }
.Ltmp0:
0x2b: {  	s1 =	sadd.s32 s1, s2;
	[smem:$0x7FB] =	sst s25;
	(pc) =	sbr.rel .LBB2_1-.Ltmp0, $4  }
0x2c: {  	[smem:$0x7FC] =	sst s26;
	s16 =	simm.s32 $0x280;
	s21 =	simm.s32 $0x4600  }
0x2d: {  	s25 =	simm.s32 $0x6;
	s26 =	simm.s32 $0x8600;
	[dreg:$0x18] =	wrdreg s6  }
0x2e: {  	s23 =	simm.s32 $0x1;
	[smem:$0x7FD] =	sst s5;
	s18 =	sadd.s32 $0x2C00, s1  }
0x2f: {  	v0 =	vimm.f32 $0.0e+00;
	s19 =	simm.s32 $0x9;
	s2 =	simm.s32 $0x0;
	[dreg:$0x1b] =	wrdreg s18  }
.LBB2_6:
0x30: {  	s0 =	simm.s32 @!p1 $0x0;
	s1 =	simm.s32 @!p1 $0x300;
	s2 =	rddreg [dreg:$0x16]  }
0x31: {  	[tilespmem:s1], [sflag:$0x4] =	stream.linear.gather @!p1 [hbm4b:s2+s0], $0x80, $0x38;
	[tilespmem:$0x1FE80] =	vst v63  }
0x32: {  	s2 =	rddreg [dreg:$0xc]  }
0x33: {  	[tilespmem:s0], [sflag:$0x4] =	stream.linear.gather @!p1 [hbm4b:s2+s0], $0x80, $0x38;
	[tilespmem:$0x1FE80] =	vst v63  }
0x34: {  	s2 =	simm.s32 @!p1 $0x4  }
0x35: {  	_ =	swait.ge @!p1 [sflag:s2], $0x80  }
0x36: {  	[sflag:s2] =	ssyncset.done @!p1 $0x0  }
0x37: {  	[sflag:s2] =	ssyncadd.s32 @!p1 $0xFFFFFF80  }
0x38: {  	_ =	swait.ge @!p1 [sflag:s2], $0x80  }
0x39: {  	[sflag:s2] =	ssyncset.done @!p1 $0x0  }
0x3a: {  	s5 =	simm.s32 @!p1 $0x600;
	[sflag:s2] =	ssyncadd.s32 @!p1 $0xFFFFFF80;
	s2 =	simm.s32 @!p1 $0x80  }
0x3b: {  	[tilespmem:s5], [sflag:$0x1] =	stream.indirect.gather @!p1 [hbm4b:s20+s2], $0x80, s0, s2, $0xb8;
	[tilespmem:$0x1FE80] =	vst v63  }
0x3c: {  	s0 =	simm.s32 @!p1 $0x1  }
0x3d: {  	_ =	swait.ge @!p1 [sflag:s0], $0x4000  }
0x3e: {  	[sflag:s0] =	ssyncset.done @!p1 $0x0  }
0x3f: {  	[sflag:s0] =	ssyncadd.s32 @!p1 $0xFFFFC000;
	s0 =	simm.s32 @!p1 $0xA  }
0x40: {  	[spmem:s22] =	stream.indirect.scatter.add.f32 @!p1 [tilespmem:s5], [sflag:$0xA], $0x80, s1, s2, $0xb8;
	[tilespmem:$0x1FE80] =	vst v63  }
0x41: {  	_ =	swait.ge @!p1 [sflag:s0], $0x4000  }
0x42: {  	[sflag:s0] =	ssyncset.done @!p1 $0x0  }
0x43: {  	[sflag:s0] =	ssyncadd.s32 @!p1 $0xFFFFC000  }
0x44: {  	[bflag:$0x0] =	sbarrier.arrive $0xFFFF  }
0x45: {  	s2 =	rddreg [dreg:$0x17]  }
0x46: {  	s6 =	rddreg [dreg:$0x18]  }
0x47: {  	s17 =	rddreg [dreg:$0xd];
	s0 =	sor.u32 $0x1C0A, s2;
	s5 =	sshrl.u32 s6, $0x3  }
0x48: {  	[hbm:s17], [sflag:s0] =	dma.local [spmem:s5], $0xD00  }
0x49: {  	_ =	swait.ge [sflag:s4], $0xD00  }
0x4a: {  	[sflag:s4] =	ssyncset.done $0x0;
	s18 =	rddreg [dreg:$0xe]  }
0x4b: {  	s24 =	rddreg [dreg:$0x1c];
	[sflag:s4] =	ssyncadd.s32 $0xFFFFF300  }
0x4c: {  	[hbm:s18], [sflag:s0] =	dma.local [spmem:s24], $0xD00  }
0x4d: {  	_ =	swait.ge [sflag:s4], $0xD00  }
0x4e: {  	[sflag:s4] =	ssyncset.done $0x0;
	s5 =	rddreg [dreg:$0xf]  }
0x4f: {  	s17 =	rddreg [dreg:$0x1d];
	[sflag:s4] =	ssyncadd.s32 $0xFFFFF300  }
0x50: {  	[hbm:s5], [sflag:s0] =	dma.local [spmem:s17], $0xD00  }
0x51: {  	_ =	swait.ge [sflag:s4], $0xD00  }
0x52: {  	s5 =	sld [smem:$0x7FD];
	_ =	sdelay $0x1  }
0x53: {  	[sflag:s4] =	ssyncset.done $0x0  }
0x54: {  	s2 =	rddreg [dreg:$0x19];
	[sflag:s4] =	ssyncadd.s32 $0xFFFFF300;
	s1 =	sshrl.u32 @!p0 s5, $0x3  }
0x55: {  	[hbm:s2], [sflag:s0] =	dma.local @!p0 [spmem:s1], $0x100  }
0x56: {  	s0 =	simm.s32 @!p0 $0xA  }
0x57: {  	_ =	swait.ge @!p0 [sflag:s0], $0x100  }
0x58: {  	s18 =	sld [smem:$0x7FA];
	_ =	sdelay $0x2  }
0x59: {  	s24 =	rddreg [dreg:$0x1a];
	s2 =	sadd.s32 $0x1, s18  }
0x5a: {  	p2 =	sne.s32 s2, s24  }
.Ltmp1:
0x5b: {  	_ = 	snop;
	(pc) =	sbr.rel @!p2 .LBB2_7-.Ltmp1, $3  }
0x5c: {  	_ =	sdelay $0x1  }
0x5d: {  	[sflag:s0] =	ssyncset.done @!p0 $0x0  }
0x5e: {  	[sflag:s0] =	ssyncadd.s32 @!p0 $0xFFFFFF00  }
.LBB2_1:
0x5f: {  	[smem:$0x7FA] =	sst s2;
	s1 =	simm.s32 $0x0;
	s2 =	simm.s32 $0x200  }
.LBB2_2:
0x60: {  	p2 =	sne.s32 s2, $0xFE00;
	[tilespmem:s1+$0x670] =	vst v0  }
0x61: {  	[tilespmem:s1+$0x600] =	vst v0  }
0x62: {  	[tilespmem:s1+$0x610] =	vst v0  }
.Ltmp2:
0x63: {  	[tilespmem:s1+$0x620] =	vst v0;
	(pc) =	sbr.rel @p2 .LBB2_2-.Ltmp2, $4  }
0x64: {  	[tilespmem:s1+$0x630] =	vst v0  }
0x65: {  	[tilespmem:s1+$0x640] =	vst v0  }
0x66: {  	[tilespmem:s1+$0x650] =	vst v0  }
0x67: {  	[tilespmem:s1+$0x660] =	vst v0;
	s1 =	sshra.s32 s2, $0x2;
	s2 =	sadd.s32 $0x200, s2  }
0x68: {  	[tilespmem:s1+$0x670] =	vst v0  }
0x69: {  	[tilespmem:s1+$0x600] =	vst v0  }
0x6a: {  	[tilespmem:s1+$0x610] =	vst v0  }
0x6b: {  	[tilespmem:s1+$0x620] =	vst v0  }
0x6c: {  	[tilespmem:s1+$0x630] =	vst v0  }
0x6d: {  	[tilespmem:s1+$0x640] =	vst v0  }
0x6e: {  	[tilespmem:s1+$0x650] =	vst v0  }
0x6f: {  	[tilespmem:s1+$0x660] =	vst v0  }
0x70: {  	[spmem:s6] =	stream.linear.scatter [tilespmem:s3], [sflag:$0xA], $0x4000, $0x38;
	[tilespmem:$0x1FE80] =	vst v63  }
0x71: {  	_ =	swait.ge [sflag:s4], $0x4000  }
0x72: {  	[sflag:s4] =	ssyncset.done $0x0  }
0x73: {  	s0 =	rddreg [dreg:$0x1e];
	[sflag:s4] =	ssyncadd.s32 $0xFFFFC000  }
0x74: {  	[spmem:s0] =	stream.linear.scatter [tilespmem:s3], [sflag:$0xA], $0x4000, $0x38;
	[tilespmem:$0x1FE80] =	vst v63  }
0x75: {  	_ =	swait.ge [sflag:s4], $0x4000  }
0x76: {  	[sflag:s4] =	ssyncset.done $0x0  }
0x77: {  	s24 =	rddreg [dreg:$0x1f];
	[sflag:s4] =	ssyncadd.s32 $0xFFFFC000  }
0x78: {  	[spmem:s24] =	stream.linear.scatter [tilespmem:s3], [sflag:$0xA], $0x4000, $0x38;
	[tilespmem:$0x1FE80] =	vst v63  }
0x79: {  	_ =	swait.ge [sflag:s4], $0x4000  }
0x7a: {  	s1 =	sld [smem:$0x7FB]  }
0x7b: {  	[sflag:s4] =	ssyncset.done $0x0  }
0x7c: {  	[sflag:s4] =	ssyncadd.s32 $0xFFFFC000  }
0x7d: {  	[spmem:s1] =	stream.linear.scatter [tilespmem:s3], [sflag:$0xA], $0x4000, $0x38;
	[tilespmem:$0x1FE80] =	vst v63  }
0x7e: {  	_ =	swait.ge [sflag:s4], $0x4000  }
0x7f: {  	s2 =	sld [smem:$0x7FC]  }
0x80: {  	[sflag:s4] =	ssyncset.done $0x0  }
0x81: {  	[sflag:s4] =	ssyncadd.s32 $0xFFFFC000  }
0x82: {  	[spmem:s2] =	stream.linear.scatter [tilespmem:s3], [sflag:$0xA], $0x3800, $0x38;
	[tilespmem:$0x1FE80] =	vst v63  }
0x83: {  	_ =	swait.ge [sflag:s4], $0x3800  }
0x84: {  	[sflag:s4] =	ssyncset.done $0x0  }
0x85: {  	s1 =	simm.s32 @!p0 $0x600;
	[sflag:s4] =	ssyncadd.s32 $0xFFFFC800  }
0x86: {  	[spmem:s5] =	stream.linear.scatter @!p0 [tilespmem:s1], [sflag:$0xA], $0x800, $0x38;
	[tilespmem:$0x1FE80] =	vst v63  }
0x87: {  	s1 =	simm.s32 @!p0 $0xA  }
0x88: {  	_ =	swait.ge @!p0 [sflag:s1], $0x800  }
0x89: {  	[sflag:s1] =	ssyncset.done @!p0 $0x0  }
0x8a: {  	[sflag:s1] =	ssyncadd.s32 @!p0 $0xFFFFF800  }
0x8b: {  	[bflag:$0x0] =	sbarrier.arrive $0xFFFF  }
0x8c: {  	s2 =	simm.s32 $0x300;
	s1 =	simm.s32 $0x0;
	s5 =	rddreg [dreg:$0x10]  }
0x8d: {  	[tilespmem:s2], [sflag:$0x4] =	stream.linear.gather [hbm4b:s5+s1], $0x80, $0x38;
	[tilespmem:$0x1FE80] =	vst v63  }
0x8e: {  	s6 =	rddreg [dreg:$0x6]  }
0x8f: {  	[tilespmem:s1], [sflag:$0x4] =	stream.linear.gather [hbm4b:s6+s1], $0x80, $0x38;
	[tilespmem:$0x1FE80] =	vst v63  }
0x90: {  	s18 =	simm.s32 $0x380;
	s17 =	rddreg [dreg:$0x11]  }
0x91: {  	[tilespmem:s18], [sflag:$0x5] =	stream.linear.gather [hbm4b:s17+s1], $0x80, $0x38;
	[tilespmem:$0x1FE80] =	vst v63  }
0x92: {  	s24 =	rddreg [dreg:$0x7]  }
0x93: {  	[tilespmem:s7], [sflag:$0x5] =	stream.linear.gather [hbm4b:s24+s1], $0x80, $0x38;
	[tilespmem:$0x1FE80] =	vst v63  }
0x94: {  	s2 =	rddreg [dreg:$0x12]  }
0x95: {  	[tilespmem:s8], [sflag:$0x6] =	stream.linear.gather [hbm4b:s2+s1], $0x80, $0x38;
	[tilespmem:$0x1FE80] =	vst v63  }
0x96: {  	s5 =	rddreg [dreg:$0x8]  }
0x97: {  	[tilespmem:s9], [sflag:$0x6] =	stream.linear.gather [hbm4b:s5+s1], $0x80, $0x38;
	[tilespmem:$0x1FE80] =	vst v63  }
0x98: {  	s6 =	rddreg [dreg:$0x13]  }
0x99: {  	[tilespmem:s10], [sflag:$0x7] =	stream.linear.gather [hbm4b:s6+s1], $0x80, $0x38;
	[tilespmem:$0x1FE80] =	vst v63  }
0x9a: {  	s17 =	rddreg [dreg:$0x9]  }
0x9b: {  	[tilespmem:s13], [sflag:$0x7] =	stream.linear.gather [hbm4b:s17+s1], $0x80, $0x38;
	[tilespmem:$0x1FE80] =	vst v63  }
0x9c: {  	s18 =	rddreg [dreg:$0x14];
	s24 =	simm.s32 $0x500  }
0x9d: {  	[tilespmem:s24], [sflag:$0x8] =	stream.linear.gather [hbm4b:s18+s1], $0x80, $0x38;
	[tilespmem:$0x1FE80] =	vst v63  }
0x9e: {  	s5 =	rddreg [dreg:$0xa]  }
0x9f: {  	[tilespmem:s14], [sflag:$0x8] =	stream.linear.gather [hbm4b:s5+s1], $0x80, $0x38;
	[tilespmem:$0x1FE80] =	vst v63  }
0xa0: {  	s6 =	rddreg [dreg:$0x15]  }
0xa1: {  	[tilespmem:s15], [sflag:$0x9] =	stream.linear.gather [hbm4b:s6+s1], $0x80, $0x38;
	[tilespmem:$0x1FE80] =	vst v63  }
0xa2: {  	s17 =	rddreg [dreg:$0xb];
	s18 =	simm.s32 $0x4  }
0xa3: {  	[tilespmem:s16], [sflag:$0x9] =	stream.linear.gather [hbm4b:s17+s1], $0x80, $0x38;
	[tilespmem:$0x1FE80] =	vst v63  }
0xa4: {  	_ =	swait.ge [sflag:s18], $0x80  }
0xa5: {  	[sflag:s18] =	ssyncset.done $0x0  }
0xa6: {  	[sflag:s18] =	ssyncadd.s32 $0xFFFFFF80  }
0xa7: {  	_ =	swait.ge [sflag:s18], $0x80  }
0xa8: {  	[sflag:s18] =	ssyncset.done $0x0  }
0xa9: {  	s24 =	simm.s32 $0x5;
	[sflag:s18] =	ssyncadd.s32 $0xFFFFFF80  }
0xaa: {  	[tilespmem:s3], [sflag:$0x1] =	stream.indirect.gather [hbm4b:s20+s7], $0x80, s1, s7, $0xb8;
	[tilespmem:$0x1FE80] =	vst v63  }
0xab: {  	_ =	swait.ge [sflag:s24], $0x80  }
0xac: {  	[sflag:s24] =	ssyncset.done $0x0  }
0xad: {  	[sflag:s24] =	ssyncadd.s32 $0xFFFFFF80  }
0xae: {  	_ =	swait.ge [sflag:s24], $0x80  }
0xaf: {  	[sflag:s24] =	ssyncset.done $0x0  }
0xb0: {  	[sflag:s24] =	ssyncadd.s32 $0xFFFFFF80  }
0xb1: {  	[tilespmem:s21], [sflag:$0x2] =	stream.indirect.gather [hbm4b:s20+s7], $0x80, s7, s7, $0xb8;
	[tilespmem:$0x1FE80] =	vst v63  }
0xb2: {  	_ =	swait.ge [sflag:s25], $0x80  }
0xb3: {  	[sflag:s25] =	ssyncset.done $0x0  }
0xb4: {  	[sflag:s25] =	ssyncadd.s32 $0xFFFFFF80  }
0xb5: {  	_ =	swait.ge [sflag:s25], $0x80  }
0xb6: {  	[sflag:s25] =	ssyncset.done $0x0  }
0xb7: {  	s2 =	rddreg [dreg:$0x1b];
	[sflag:s25] =	ssyncadd.s32 $0xFFFFFF80  }
0xb8: {  	[tilespmem:s26], [sflag:$0x3] =	stream.indirect.gather [hbm4b:s20+s7], $0x80, s9, s7, $0xb8;
	[tilespmem:$0x1FE80] =	vst v63  }
.LBB2_4:
0xb9: {  	_ =	swait.ge [sflag:s23], $0x4000  }
0xba: {  	[sflag:s23] =	ssyncset.done $0x0  }
0xbb: {  	s0 =	simm.s32 $0x300;
	[sflag:s23] =	ssyncadd.s32 $0xFFFFC000  }
0xbc: {  	[spmem:s22] =	stream.indirect.scatter.add.f32 [tilespmem:s3], [sflag:$0xA], $0x80, s0, s7, $0xb8;
	[tilespmem:$0x1FE80] =	vst v63  }
0xbd: {  	p2 =	seq.s32 s1, $0x9000;
	_ =	swait.ge [sflag:s4], $0x4000  }
0xbe: {  	s17 =	sadd.s32 @!p2 $0xFFFFEC00, s2;
	[sflag:s4] =	ssyncset.done $0x0  }
0xbf: {  	s24 =	simm.s32 @!p2 $0x0;
	s18 =	simm.s32 @!p2 $0x300;
	[sflag:s4] =	ssyncadd.s32 $0xFFFFC000  }
0xc0: {  	[tilespmem:s18], [sflag:$0x4] =	stream.linear.gather @!p2 [hbm4b:s17+s24], $0x80, $0x38;
	[tilespmem:$0x1FE80] =	vst v63  }
0xc1: {  	s17 =	sadd.s32 @!p2 s1, s12  }
0xc2: {  	s18 =	sadd.s32 @!p2 $0xC00, s17  }
0xc3: {  	[tilespmem:s24], [sflag:$0x4] =	stream.linear.gather @!p2 [hbm4b:s18+s24], $0x80, $0x38;
	[tilespmem:$0x1FE80] =	vst v63  }
0xc4: {  	_ =	swait.ge [sflag:s29], $0x80  }
0xc5: {  	[sflag:s29] =	ssyncset.done $0x0  }
0xc6: {  	[sflag:s29] =	ssyncadd.s32 $0xFFFFFF80  }
0xc7: {  	_ =	swait.ge [sflag:s29], $0x80  }
0xc8: {  	[sflag:s29] =	ssyncset.done $0x0  }
0xc9: {  	[sflag:s29] =	ssyncadd.s32 $0xFFFFFF80  }
0xca: {  	[tilespmem:s3], [sflag:$0x1] =	stream.indirect.gather [hbm4b:s20+s7], $0x80, s13, s7, $0xb8;
	[tilespmem:$0x1FE80] =	vst v63  }
0xcb: {  	_ =	swait.ge [sflag:s28], $0x4000  }
0xcc: {  	[sflag:s28] =	ssyncset.done $0x0  }
0xcd: {  	s18 =	simm.s32 $0x380;
	[sflag:s28] =	ssyncadd.s32 $0xFFFFC000  }
0xce: {  	[spmem:s22] =	stream.indirect.scatter.add.f32 [tilespmem:s21], [sflag:$0xA], $0x80, s18, s7, $0xb8;
	[tilespmem:$0x1FE80] =	vst v63  }
0xcf: {  	_ =	swait.ge [sflag:s4], $0x4000  }
0xd0: {  	[sflag:s4] =	ssyncset.done $0x0  }
0xd1: {  	s0 =	simm.s32 @!p2 $0x380;
	s18 =	sadd.s32 @!p2 $0xFFFFF000, s2;
	[sflag:s4] =	ssyncadd.s32 $0xFFFFC000  }
0xd2: {  	[tilespmem:s0], [sflag:$0x5] =	stream.linear.gather @!p2 [hbm4b:s18+s24], $0x80, $0x38;
	[tilespmem:$0x1FE80] =	vst v63  }
0xd3: {  	s0 =	sadd.s32 @!p2 $0xE00, s17;
	s18 =	simm.s32 @!p2 $0x80  }
0xd4: {  	[tilespmem:s18], [sflag:$0x5] =	stream.linear.gather @!p2 [hbm4b:s0+s24], $0x80, $0x38;
	[tilespmem:$0x1FE80] =	vst v63  }
0xd5: {  	_ =	swait.ge [sflag:s30], $0x80  }
0xd6: {  	[sflag:s30] =	ssyncset.done $0x0  }
0xd7: {  	[sflag:s30] =	ssyncadd.s32 $0xFFFFFF80  }
0xd8: {  	_ =	swait.ge [sflag:s30], $0x80  }
0xd9: {  	[sflag:s30] =	ssyncset.done $0x0  }
0xda: {  	[sflag:s30] =	ssyncadd.s32 $0xFFFFFF80  }
0xdb: {  	[tilespmem:s21], [sflag:$0x2] =	stream.indirect.gather [hbm4b:s20+s7], $0x80, s14, s7, $0xb8;
	[tilespmem:$0x1FE80] =	vst v63  }
0xdc: {  	_ =	swait.ge [sflag:s31], $0x4000  }
0xdd: {  	[sflag:s31] =	ssyncset.done $0x0  }
0xde: {  	[sflag:s31] =	ssyncadd.s32 $0xFFFFC000  }
0xdf: {  	[spmem:s22] =	stream.indirect.scatter.add.f32 [tilespmem:s26], [sflag:$0xA], $0x80, s8, s7, $0xb8;
	[tilespmem:$0x1FE80] =	vst v63  }
0xe0: {  	_ =	swait.ge [sflag:s4], $0x4000  }
0xe1: {  	[sflag:s4] =	ssyncset.done $0x0  }
0xe2: {  	s5 =	simm.s32 @!p2 $0x400;
	s0 =	sadd.s32 @!p2 $0xFFFFF400, s2;
	[sflag:s4] =	ssyncadd.s32 $0xFFFFC000  }
0xe3: {  	[tilespmem:s5], [sflag:$0x6] =	stream.linear.gather @!p2 [hbm4b:s0+s24], $0x80, $0x38;
	[tilespmem:$0x1FE80] =	vst v63  }
0xe4: {  	s0 =	sadd.s32 @!p2 $0x1000, s17;
	s5 =	simm.s32 @!p2 $0x100  }
0xe5: {  	[tilespmem:s5], [sflag:$0x6] =	stream.linear.gather @!p2 [hbm4b:s0+s24], $0x80, $0x38;
	[tilespmem:$0x1FE80] =	vst v63  }
0xe6: {  	_ =	swait.ge [sflag:s19], $0x80  }
0xe7: {  	[sflag:s19] =	ssyncset.done $0x0  }
0xe8: {  	[sflag:s19] =	ssyncadd.s32 $0xFFFFFF80  }
0xe9: {  	_ =	swait.ge [sflag:s19], $0x80  }
0xea: {  	[sflag:s19] =	ssyncset.done $0x0  }
0xeb: {  	[sflag:s19] =	ssyncadd.s32 $0xFFFFFF80  }
0xec: {  	[tilespmem:s26], [sflag:$0x3] =	stream.indirect.gather [hbm4b:s20+s7], $0x80, s16, s7, $0xb8;
	[tilespmem:$0x1FE80] =	vst v63  }
0xed: {  	_ =	swait.ge [sflag:s23], $0x4000  }
0xee: {  	[sflag:s23] =	ssyncset.done $0x0  }
0xef: {  	[sflag:s23] =	ssyncadd.s32 $0xFFFFC000  }
0xf0: {  	[spmem:s22] =	stream.indirect.scatter.add.f32 [tilespmem:s3], [sflag:$0xA], $0x80, s10, s7, $0xb8;
	[tilespmem:$0x1FE80] =	vst v63  }
0xf1: {  	_ =	swait.ge [sflag:s4], $0x4000  }
0xf2: {  	[sflag:s4] =	ssyncset.done $0x0  }
0xf3: {  	s0 =	simm.s32 @p2 $0x2;
	[sflag:s4] =	ssyncadd.s32 $0xFFFFC000  }
0xf4: {  	_ =	swait.ge @p2 [sflag:s0], $0x4000  }
0xf5: {  	s6 =	simm.s32 @p2 $0x4600;
	[sflag:s0] =	ssyncset.done @p2 $0x0  }
0xf6: {  	s5 =	simm.s32 @p2 $0x500;
	[sflag:s0] =	ssyncadd.s32 @p2 $0xFFFFC000;
	s0 =	simm.s32 @p2 $0x80  }
0xf7: {  	[spmem:s22] =	stream.indirect.scatter.add.f32 @p2 [tilespmem:s6], [sflag:$0xA], $0x80, s5, s0, $0xb8;
	[tilespmem:$0x1FE80] =	vst v63  }
0xf8: {  	s0 =	simm.s32 @p2 $0xA  }
0xf9: {  	_ =	swait.ge @p2 [sflag:s0], $0x4000  }
0xfa: {  	[sflag:s0] =	ssyncset.done @p2 $0x0  }
0xfb: {  	s5 =	simm.s32 @!p2 $0x480;
	[sflag:s0] =	ssyncadd.s32 @p2 $0xFFFFC000;
	s0 =	sadd.s32 @!p2 $0xFFFFF800, s2  }
0xfc: {  	[tilespmem:s5], [sflag:$0x7] =	stream.linear.gather @!p2 [hbm4b:s0+s24], $0x80, $0x38;
	[tilespmem:$0x1FE80] =	vst v63  }
0xfd: {  	s0 =	sadd.s32 @!p2 $0x1200, s17;
	s5 =	simm.s32 @!p2 $0x180  }
0xfe: {  	[tilespmem:s5], [sflag:$0x7] =	stream.linear.gather @!p2 [hbm4b:s0+s24], $0x80, $0x38;
	[tilespmem:$0x1FE80] =	vst v63  }
0xff: {  	s0 =	simm.s32 @!p2 $0x4  }
0x100: {  	_ =	swait.ge @!p2 [sflag:s0], $0x80  }
0x101: {  	[sflag:s0] =	ssyncset.done @!p2 $0x0  }
0x102: {  	[sflag:s0] =	ssyncadd.s32 @!p2 $0xFFFFFF80  }
0x103: {  	_ =	swait.ge @!p2 [sflag:s0], $0x80  }
0x104: {  	[sflag:s0] =	ssyncset.done @!p2 $0x0  }
0x105: {  	[sflag:s0] =	ssyncadd.s32 @!p2 $0xFFFFFF80;
	s0 =	simm.s32 @!p2 $0x600  }
0x106: {  	[tilespmem:s0], [sflag:$0x1] =	stream.indirect.gather @!p2 [hbm4b:s20+s18], $0x80, s24, s18, $0xb8;
	[tilespmem:$0x1FE80] =	vst v63  }
0x107: {  	s0 =	simm.s32 @!p2 $0x2  }
0x108: {  	_ =	swait.ge @!p2 [sflag:s0], $0x4000  }
0x109: {  	s6 =	simm.s32 @!p2 $0xA;
	[sflag:s0] =	ssyncset.done @!p2 $0x0  }
0x10a: {  	s5 =	simm.s32 @!p2 $0x4600;
	[sflag:s0] =	ssyncadd.s32 @!p2 $0xFFFFC000;
	s0 =	simm.s32 @!p2 $0x500  }
0x10b: {  	[spmem:s22] =	stream.indirect.scatter.add.f32 @!p2 [tilespmem:s5], [sflag:$0xA], $0x80, s0, s18, $0xb8;
	[tilespmem:$0x1FE80] =	vst v63  }
0x10c: {  	_ =	swait.ge @!p2 [sflag:s6], $0x4000  }
0x10d: {  	[sflag:s6] =	ssyncset.done @!p2 $0x0  }
0x10e: {  	[sflag:s6] =	ssyncadd.s32 @!p2 $0xFFFFC000;
	s6 =	sadd.s32 @!p2 $0xFFFFFC00, s2  }
0x10f: {  	[tilespmem:s0], [sflag:$0x8] =	stream.linear.gather @!p2 [hbm4b:s6+s24], $0x80, $0x38;
	[tilespmem:$0x1FE80] =	vst v63  }
0x110: {  	s0 =	sadd.s32 @!p2 $0x1400, s17;
	s6 =	simm.s32 @!p2 $0x200  }
0x111: {  	[tilespmem:s6], [sflag:$0x8] =	stream.linear.gather @!p2 [hbm4b:s0+s24], $0x80, $0x38;
	[tilespmem:$0x1FE80] =	vst v63  }
0x112: {  	s0 =	simm.s32 @!p2 $0x5  }
0x113: {  	_ =	swait.ge @!p2 [sflag:s0], $0x80  }
0x114: {  	[sflag:s0] =	ssyncset.done @!p2 $0x0  }
0x115: {  	[sflag:s0] =	ssyncadd.s32 @!p2 $0xFFFFFF80  }
0x116: {  	_ =	swait.ge @!p2 [sflag:s0], $0x80  }
0x117: {  	[sflag:s0] =	ssyncset.done @!p2 $0x0  }
0x118: {  	[sflag:s0] =	ssyncadd.s32 @!p2 $0xFFFFFF80  }
0x119: {  	[tilespmem:s5], [sflag:$0x2] =	stream.indirect.gather @!p2 [hbm4b:s20+s18], $0x80, s18, s18, $0xb8;
	[tilespmem:$0x1FE80] =	vst v63  }
0x11a: {  	_ =	swait.ge [sflag:s31], $0x4000  }
0x11b: {  	[sflag:s31] =	ssyncset.done $0x0  }
.Ltmp3:
0x11c: {  	[sflag:s31] =	ssyncadd.s32 $0xFFFFC000;
	(pc) =	sbr.rel @p2 .LBB2_6-.Ltmp3, $4  }
0x11d: {  	[spmem:s22] =	stream.indirect.scatter.add.f32 [tilespmem:s26], [sflag:$0xA], $0x80, s15, s7, $0xb8;
	[tilespmem:$0x1FE80] =	vst v63  }
0x11e: {  	_ =	swait.ge [sflag:s4], $0x4000  }
0x11f: {  	[sflag:s4] =	ssyncset.done $0x0  }
0x120: {  	[sflag:s4] =	ssyncadd.s32 $0xFFFFC000  }
0x121: {  	[tilespmem:s15], [sflag:$0x9] =	stream.linear.gather [hbm4b:s2+s11], $0x80, $0x38;
	[tilespmem:$0x1FE80] =	vst v63  }
0x122: {  	s0 =	sadd.s32 s1, s12  }
0x123: {  	s0 =	sadd.s32 $0x1600, s0  }
0x124: {  	[tilespmem:s16], [sflag:$0x9] =	stream.linear.gather [hbm4b:s0+s11], $0x80, $0x38;
	[tilespmem:$0x1FE80] =	vst v63  }
0x125: {  	_ =	swait.ge [sflag:s25], $0x80  }
0x126: {  	[sflag:s25] =	ssyncset.done $0x0  }
.Ltmp4:
0x127: {  	[sflag:s25] =	ssyncadd.s32 $0xFFFFFF80;
	(pc) =	sbr.rel .LBB2_4-.Ltmp4, $4  }
0x128: {  	_ =	swait.ge [sflag:s25], $0x80  }
0x129: {  	[sflag:s25] =	ssyncset.done $0x0  }
0x12a: {  	s1 =	sadd.s32 $0xC00, s1;
	s2 =	sadd.s32 $0x1800, s2;
	[sflag:s25] =	ssyncadd.s32 $0xFFFFFF80  }
0x12b: {  	[tilespmem:s26], [sflag:$0x3] =	stream.indirect.gather [hbm4b:s20+s7], $0x80, s9, s7, $0xb8;
	[tilespmem:$0x1FE80] =	vst v63  }
.LBB2_7:
0x12c: {  	_ =	sfence.sel $0x180000  }
0x12d: {  	[bflag:$0x0] =	sbarrier.arrive $0xFFFF  }
0x12e: {  	_ =	strace $0x90000047  }
0x12f: {  	s0 =	stileid.u32;
	[bflag:$0x2] =	sbarrier.arrive $0xFFFF  }
0x130: {  	p0 =	sne.s32 s0, $0x0;
	s0 =	rddreg [dreg:$0x5]  }
0x131: {  	s0 =	sadd.s32 @!p0 $0x100000, s0  }
0x132: {  	[sflag:s0] =	ssyncadd.tile.s32 @!p0 $0x1;
	_ =	shalt  }
.Lfunc_end2:
_tile_overlayer_lowered:
.L_overlay_start_2:
0x133: {  	(tag) =	ssettag $0x2  }
0x134: {  	s0 =	rddreg [dreg:$0x0];
	s2 =	stileid.u32  }
0x135: {  	s1 =	rddreg [dreg:$0x1];
	p0 =	sne.s32 s2, $0x0  }
0x136: {  	s3 =	rddreg [dreg:$0x2];
	[bflag:$0x3] =	sbarrier.arrive $0xFFFF;
	s2 =	simm.s32 @!p0 $0x1C0A  }
0x137: {  	[timem:s3], [sflag:s2] =	dma.local @!p0 [hbm:s0], s1  }
0x138: {  	s0 =	simm.s32 @!p0 $0xA  }
0x139: {  	_ =	swait.ge @!p0 [sflag:s0], s1  }
0x13a: {  	s1 =	ssub.s32 @!p0 $0x0, s1;
	[sflag:s0] =	ssyncset.done @!p0 $0x0  }
0x13b: {  	[sflag:s0] =	ssyncadd.s32 @!p0 s1  }
0x13c: {  	[bflag:$0x3] =	sbarrier.arrive $0xFFFF  }
0x13d: {  	_ =	shalt  }

</sc_bundles>
